<compile_context>
chip_gen: v7x
topology: tpu7x:2x2x1
jax: 0.10.2.dev20260603
libtpu: 0.0.44.dev20260713+nightly
codegen_flags: <defaults>
</compile_context>

<pallas_src>
import functools

import jax
import jax.numpy as jnp
from jax import lax
from jax.experimental import pallas as pl
from jax.experimental.pallas import tpu as pltpu
from jax.experimental.pallas import tpu_sc as plsc

_W = 4
_K = 12
_NC = 2
_NS = 16
_L = 16


def _sort(v, descending=False):
    r = plsc.sort_key_val(v, v, descending=descending)
    if isinstance(r, (tuple, list)):
        r = r[0]
    return r


def _sc_pool_topk(groups, f, t):
    rows = groups * f
    nw = _NC * _NS
    rows_pw = rows // nw
    groups_pw = groups // nw
    ch = 64
    nvr = t // _L
    tw = t - _W + 1
    last_valid = tw - (nvr - 1) * _L
    scale = 1.0 / (_W * _K * f)
    neg = jnp.float32(-jnp.inf)

    mesh = plsc.VectorSubcoreMesh(
        core_axis_name="c", subcore_axis_name="s",
        num_cores=_NC, num_subcores=_NS,
    )

    @functools.partial(
        pl.kernel,
        mesh=mesh,
        out_type=jax.ShapeDtypeStruct((groups,), jnp.float32),
        compiler_params=pltpu.CompilerParams(needs_layout_passes=False),
        scratch_types=[
            pltpu.VMEM((ch * t + _L,), jnp.float32),
            pltpu.VMEM((ch * t + _L,), jnp.float32),
            pltpu.VMEM((groups_pw,), jnp.float32),
            pltpu.SemaphoreType.DMA,
            pltpu.SemaphoreType.DMA,
        ],
    )
    def run(x_hbm, out_hbm, xbuf0, xbuf1, resbuf, sem0, sem1):
        wid = lax.axis_index("s") * _NC + lax.axis_index("c")
        row0 = wid * rows_pw
        lane = lax.iota(jnp.int32, _L)
        topmask = lane >= (_L - _K)
        lastmask = lane < last_valid

        def start_chunk(chunk_idx, buf, sem):
            src = x_hbm.at[pl.ds((row0 + chunk_idx * ch) * t, ch * t)]
            pltpu.make_async_copy(src, buf.at[pl.ds(0, ch * t)], sem).start()

        start_chunk(0, xbuf0, sem0)
        start_chunk(1, xbuf1, sem1)

        ilv = 8

        def _wsum(buf, off):
            a0 = buf[pl.ds(off, _L)]
            a1 = buf[pl.ds(off + 1, _L)]
            a2 = buf[pl.ds(off + 2, _L)]
            a3 = buf[pl.ds(off + 3, _L)]
            return (a0 + a1) + (a2 + a3)

        def chunk_sum(buf, gacc):
            def blk(q, acc):
                bases = [(q * ilv + j) * t for j in range(ilv)]

                @plsc.parallel_loop(
                    0, (nvr - 1) * _L, step=_L, unroll=1,
                    carry=tuple(jnp.full((_L,), neg) for _ in range(ilv)),
                )
                def Rs(ioff, Rs_in):
                    out = []
                    for j in range(ilv):
                        ws = buf[pl.ds(bases[j] + ioff, _L)]
                        out.append(jnp.maximum(Rs_in[j], ws))
                    return tuple(out)
                ioff = (nvr - 1) * _L
                for j in range(ilv):
                    ws = jnp.where(
                        lastmask, _wsum(buf, bases[j] + ioff), neg
                    )
                    c_dsc = _sort(ws, descending=True)
                    R = _sort(jnp.maximum(Rs[j], c_dsc))
                    acc = acc + jnp.where(topmask, R, 0.0)
                return acc

            return lax.fori_loop(0, ch // ilv, blk, gacc)

        def group_body(g, _):
            pltpu.make_async_copy(
                x_hbm.at[pl.ds(0, ch * t)], xbuf0.at[pl.ds(0, ch * t)], sem0
            ).wait()
            gacc = chunk_sum(xbuf0, jnp.zeros((_L,), jnp.float32))

            @pl.when(g + 1 < groups_pw)
            def _():
                start_chunk(2 * (g + 1), xbuf0, sem0)

            pltpu.make_async_copy(
                x_hbm.at[pl.ds(0, ch * t)], xbuf1.at[pl.ds(0, ch * t)], sem1
            ).wait()
            gacc = chunk_sum(xbuf1, gacc)

            @pl.when(g + 1 < groups_pw)
            def _():
                start_chunk(2 * (g + 1) + 1, xbuf1, sem1)

            tot = plsc.cumsum(gacc) * scale
            plsc.store_scatter(
                resbuf, [jnp.full((_L,), g, jnp.int32)], tot,
                mask=lane == (_L - 1),
            )
            return 0

        lax.fori_loop(0, groups_pw, group_body, 0)
        pltpu.sync_copy(resbuf, out_hbm.at[pl.ds(wid * groups_pw, groups_pw)])

    return run


def kernel(x):
    b, c, f, t = x.shape
    if _W <= 1 or t < _W:
        return x.mean(axis=(-1, -2))
    xr = x.reshape(b * c * f * t)
    out = _sc_pool_topk(b * c, f, t)(xr)
    return out.reshape(b, c)

# --- scband reference (transcript-rebuilt; emitter-appended) ---
"""Pipeline reference for scband-ssrp-t-30992484008196 (READ-ONLY COPY).

The authoritative reference and input builder live on the scoring server;
editing this copy changes nothing except your own understanding.
"""

import jax, jax.numpy as jnp
import numpy as np

W = 4
K = 12


def setup_inputs(seed: int = 0) -> dict:
    key = jax.random.key(seed)
    x = jax.random.normal(key, (16, 64, 128, 512), dtype=jnp.float32)
    return {"x": x}


def reference(x):
    B, C, F, T = x.shape
    if W <= 1 or T < W:
        z_cf = x.mean(axis=-1)
        return z_cf.mean(axis=2)
    # Step 1: sliding-window mean over time, kernel=W, stride=1 (== avg_pool1d)
    xr = x.reshape(B * C * F, T)
    cs = jnp.cumsum(xr, axis=-1)
    cs = jnp.concatenate([jnp.zeros((B * C * F, 1), dtype=xr.dtype), cs], axis=-1)
    wsum = cs[:, W:] - cs[:, :-W]
    wmean = wsum / float(W)
    Tw = T - W + 1
    wmean = wmean.reshape(B, C, F, Tw)
    # Step 2: top-K window means per (B, C, F)
    K_eff = min(K, Tw)
    topk_vals, _ = jax.lax.top_k(wmean, K_eff)
    # Step 3: average top-K -> (B, C, F)
    z_cf = topk_vals.mean(axis=-1)
    # Step 4: reduce freq -> (B, C)
    z_c = z_cf.mean(axis=2)
    return z_c

if __name__ == "__main__":
    import jax
    _d = setup_inputs()
    print(jax.jit(kernel)(*tuple(_d.values())))

</pallas_src>

<mosaic_0001>
#map = affine_map<(d0, d1) -> (0)>
module attributes {stable_mosaic.version = 14 : i64} {
  func.func @_rewritten_body(%arg0: i32, %arg1: i32, %arg2: memref<67108864xf32, #tpu.memory_space<hbm>>, %arg3: memref<1xf32, #tpu.memory_space<hbm>>, %arg4: memref<1024xf32, #tpu.memory_space<hbm>>, %arg5: memref<32784xf32, #tpu.memory_space<vmem>>, %arg6: memref<32784xf32, #tpu.memory_space<vmem>>, %arg7: memref<32xf32, #tpu.memory_space<vmem>>, %arg8: memref<!tpu.dma_semaphore, #tpu.memory_space<semaphore_mem>>, %arg9: memref<!tpu.dma_semaphore, #tpu.memory_space<semaphore_mem>>) attributes {dimension_semantics = [#tpu.dimension_semantics<core_parallel>, #tpu.dimension_semantics<subcore_parallel>], iteration_bounds = array<i64: 2, 16>, scalar_prefetch = 0 : i64, scratch_operands = 5 : i64, tpu.core_type = #tpu.core_type<sc_vector_subcore>, window_params = [{transform_indices = #map}, {transform_indices = #map}, {transform_indices = #map}]} {
    %empty_ref3A = memref.alloca() : memref<16xf32, #tpu.memory_space<vmem>>
    "tpu.region"() ({
      %run_scoped3A = tpu.sem_alloc : memref<!tpu.dma_semaphore, #tpu.memory_space<semaphore_mem>>
      %dma_start3A_35 = arith.constant 0 : i32
      %dma_start3A_36 = tpu.memref_slice %empty_ref3A[%dma_start3A_35] : memref<16xf32, #tpu.memory_space<vmem>> -> memref<1xf32, #tpu.memory_space<vmem>>
      %dma_start3A_37 = arith.constant 0 : i32
      %dma_start3A_38 = tpu.memref_slice %empty_ref3A[%dma_start3A_37] : memref<16xf32, #tpu.memory_space<vmem>> -> memref<1xf32, #tpu.memory_space<vmem>>
      tpu.enqueue_dma source(%arg3 : memref<1xf32, #tpu.memory_space<hbm>>) target(%dma_start3A_38 : memref<1xf32, #tpu.memory_space<vmem>>) target_semaphore(%run_scoped3A : memref<!tpu.dma_semaphore, #tpu.memory_space<semaphore_mem>>)
      %dma_wait3A = arith.constant 0 : i32
      %dma_wait3A_39 = tpu.memref_slice %empty_ref3A[%dma_wait3A] : memref<16xf32, #tpu.memory_space<vmem>> -> memref<1xf32, #tpu.memory_space<vmem>>
      %dma_wait3A_40 = arith.constant 0 : i32
      %dma_wait3A_41 = tpu.memref_slice %empty_ref3A[%dma_wait3A_40] : memref<16xf32, #tpu.memory_space<vmem>> -> memref<1xf32, #tpu.memory_space<vmem>>
      tpu.wait_dma2 semaphore(%run_scoped3A : memref<!tpu.dma_semaphore, #tpu.memory_space<semaphore_mem>>) src(%arg3 : memref<1xf32, #tpu.memory_space<hbm>>) dst(%dma_wait3A_41 : memref<1xf32, #tpu.memory_space<vmem>>)
      tpu.yield
    }) : () -> ()
    %get3A = arith.constant 0 : index
    %get3A_0 = tpu.vector_load %empty_ref3A[%get3A] {strides = array<i32>} : memref<16xf32, #tpu.memory_space<vmem>>, vector<16xf32>,
    %slice3A = vector.extract_strided_slice %get3A_0 {offsets = [0], sizes = [1], strides = [1]} : vector<16xf32> to vector<1xf32>
    %squeeze3A = vector.extract %slice3A[0] : f32 from vector<1xf32>
    %mul3A = arith.constant 2 : i32
    %mul3A_1 = arith.muli %arg1, %mul3A : i32
    %add3A = arith.addi %mul3A_1, %arg0 : i32
    %mul3A_2 = arith.constant 4096 : i32
    %mul3A_3 = arith.muli %add3A, %mul3A_2 : i32
    %iota3A = tpu.iota {dimensions = array<i32: 0>} : vector<16xi32>
    %ge3A = arith.constant 4 : i32
    %ge3A_4 = vector.broadcast %ge3A : i32 to vector<16xi32>
    %ge3A_5 = arith.cmpi sge, %iota3A, %ge3A_4 : vector<16xi32>
    %lt3A = arith.constant 13 : i32
    %lt3A_6 = vector.broadcast %lt3A : i32 to vector<16xi32>
    %lt3A_7 = arith.cmpi slt, %iota3A, %lt3A_6 : vector<16xi32>
    %add3A_8 = arith.constant 0 : i32
    %add3A_9 = arith.addi %mul3A_3, %add3A_8 : i32
    %mul3A_10 = arith.constant 512 : i32
    %mul3A_11 = arith.muli %add3A_9, %mul3A_10 : i32
    %dma_start3A = arith.constant 0 : i32
    %dma_start3A_12 = tpu.memref_slice %arg5[%dma_start3A] : memref<32784xf32, #tpu.memory_space<vmem>> -> memref<32768xf32, #tpu.memory_space<vmem>>
    %dma_start3A_13 = tpu.memref_slice %arg2[%mul3A_11] : memref<67108864xf32, #tpu.memory_space<hbm>> -> memref<32768xf32, #tpu.memory_space<hbm>>
    %dma_start3A_14 = arith.constant 0 : i32
    %dma_start3A_15 = tpu.memref_slice %arg5[%dma_start3A_14] : memref<32784xf32, #tpu.memory_space<vmem>> -> memref<32768xf32, #tpu.memory_space<vmem>>
    %dma_start3A_16 = tpu.memref_slice %arg2[%mul3A_11] : memref<67108864xf32, #tpu.memory_space<hbm>> -> memref<32768xf32, #tpu.memory_space<hbm>>
    tpu.enqueue_dma source(%dma_start3A_16 : memref<32768xf32, #tpu.memory_space<hbm>>) target(%dma_start3A_15 : memref<32768xf32, #tpu.memory_space<vmem>>) target_semaphore(%arg8 : memref<!tpu.dma_semaphore, #tpu.memory_space<semaphore_mem>>)
    %add3A_17 = arith.constant 64 : i32
    %add3A_18 = arith.addi %mul3A_3, %add3A_17 : i32
    %mul3A_19 = arith.constant 512 : i32
    %mul3A_20 = arith.muli %add3A_18, %mul3A_19 : i32
    %dma_start3A_21 = arith.constant 0 : i32
    %dma_start3A_22 = tpu.memref_slice %arg6[%dma_start3A_21] : memref<32784xf32, #tpu.memory_space<vmem>> -> memref<32768xf32, #tpu.memory_space<vmem>>
    %dma_start3A_23 = tpu.memref_slice %arg2[%mul3A_20] : memref<67108864xf32, #tpu.memory_space<hbm>> -> memref<32768xf32, #tpu.memory_space<hbm>>
    %dma_start3A_24 = arith.constant 0 : i32
    %dma_start3A_25 = tpu.memref_slice %arg6[%dma_start3A_24] : memref<32784xf32, #tpu.memory_space<vmem>> -> memref<32768xf32, #tpu.memory_space<vmem>>
    %dma_start3A_26 = tpu.memref_slice %arg2[%mul3A_20] : memref<67108864xf32, #tpu.memory_space<hbm>> -> memref<32768xf32, #tpu.memory_space<hbm>>
    tpu.enqueue_dma source(%dma_start3A_26 : memref<32768xf32, #tpu.memory_space<hbm>>) target(%dma_start3A_25 : memref<32768xf32, #tpu.memory_space<vmem>>) target_semaphore(%arg9 : memref<!tpu.dma_semaphore, #tpu.memory_space<semaphore_mem>>)
    %scan3A = arith.constant 0 : i32
    %scan3A_27 = arith.constant 0 : i32
    %scan3A_28 = arith.constant 32 : i32
    %scan3A_29 = arith.addi %scan3A_27, %scan3A_28 : i32
    %scan3A_30 = arith.constant 1 : i32
    %scan3A_31 = scf.for %scan3A_35 = %scan3A_27 to %scan3A_29 step %scan3A_30 iter_args(%scan3A_36 = %scan3A) -> (i32)  : i32 {
      %dma_wait3A = arith.constant 0 : i32
      %dma_wait3A_37 = tpu.memref_slice %arg5[%dma_wait3A] : memref<32784xf32, #tpu.memory_space<vmem>> -> memref<32768xf32, #tpu.memory_space<vmem>>
      %dma_wait3A_38 = arith.constant 0 : i32
      %dma_wait3A_39 = tpu.memref_slice %arg2[%dma_wait3A_38] : memref<67108864xf32, #tpu.memory_space<hbm>> -> memref<32768xf32, #tpu.memory_space<hbm>>
      %dma_wait3A_40 = arith.constant 0 : i32
      %dma_wait3A_41 = tpu.memref_slice %arg5[%dma_wait3A_40] : memref<32784xf32, #tpu.memory_space<vmem>> -> memref<32768xf32, #tpu.memory_space<vmem>>
      %dma_wait3A_42 = arith.constant 0 : i32
      %dma_wait3A_43 = tpu.memref_slice %arg2[%dma_wait3A_42] : memref<67108864xf32, #tpu.memory_space<hbm>> -> memref<32768xf32, #tpu.memory_space<hbm>>
      tpu.wait_dma2 semaphore(%arg8 : memref<!tpu.dma_semaphore, #tpu.memory_space<semaphore_mem>>) src(%dma_wait3A_43 : memref<32768xf32, #tpu.memory_space<hbm>>) dst(%dma_wait3A_41 : memref<32768xf32, #tpu.memory_space<vmem>>)
      %broadcast_in_dim3A = arith.constant 0.000000e+00 : f32
      %broadcast_in_dim3A_44 = vector.broadcast %broadcast_in_dim3A : f32 to vector<16xf32>
      %scan3A_45 = arith.constant 0 : i32
      %scan3A_46 = arith.constant 8 : i32
      %scan3A_47 = arith.addi %scan3A_45, %scan3A_46 : i32
      %scan3A_48 = arith.constant 1 : i32
      %scan3A_49 = scf.for %scan3A_86 = %scan3A_45 to %scan3A_47 step %scan3A_48 iter_args(%scan3A_87 = %broadcast_in_dim3A_44) -> (vector<16xf32>)  : i32 {
        %mul3A_88 = arith.constant 8 : i32
        %mul3A_89 = arith.muli %scan3A_86, %mul3A_88 : i32
        %add3A_90 = arith.constant 0 : i32
        %add3A_91 = arith.addi %mul3A_89, %add3A_90 : i32
        %mul3A_92 = arith.constant 512 : i32
        %mul3A_93 = arith.muli %add3A_91, %mul3A_92 : i32
        %mul3A_94 = arith.constant 8 : i32
        %mul3A_95 = arith.muli %scan3A_86, %mul3A_94 : i32
        %add3A_96 = arith.constant 1 : i32
        %add3A_97 = arith.addi %mul3A_95, %add3A_96 : i32
        %mul3A_98 = arith.constant 512 : i32
        %mul3A_99 = arith.muli %add3A_97, %mul3A_98 : i32
        %mul3A_100 = arith.constant 8 : i32
        %mul3A_101 = arith.muli %scan3A_86, %mul3A_100 : i32
        %add3A_102 = arith.constant 2 : i32
        %add3A_103 = arith.addi %mul3A_101, %add3A_102 : i32
        %mul3A_104 = arith.constant 512 : i32
        %mul3A_105 = arith.muli %add3A_103, %mul3A_104 : i32
        %mul3A_106 = arith.constant 8 : i32
        %mul3A_107 = arith.muli %scan3A_86, %mul3A_106 : i32
        %add3A_108 = arith.constant 3 : i32
        %add3A_109 = arith.addi %mul3A_107, %add3A_108 : i32
        %mul3A_110 = arith.constant 512 : i32
        %mul3A_111 = arith.muli %add3A_109, %mul3A_110 : i32
        %mul3A_112 = arith.constant 8 : i32
        %mul3A_113 = arith.muli %scan3A_86, %mul3A_112 : i32
        %add3A_114 = arith.constant 4 : i32
        %add3A_115 = arith.addi %mul3A_113, %add3A_114 : i32
        %mul3A_116 = arith.constant 512 : i32
        %mul3A_117 = arith.muli %add3A_115, %mul3A_116 : i32
        %mul3A_118 = arith.constant 8 : i32
        %mul3A_119 = arith.muli %scan3A_86, %mul3A_118 : i32
        %add3A_120 = arith.constant 5 : i32
        %add3A_121 = arith.addi %mul3A_119, %add3A_120 : i32
        %mul3A_122 = arith.constant 512 : i32
        %mul3A_123 = arith.muli %add3A_121, %mul3A_122 : i32
        %mul3A_124 = arith.constant 8 : i32
        %mul3A_125 = arith.muli %scan3A_86, %mul3A_124 : i32
        %add3A_126 = arith.constant 6 : i32
        %add3A_127 = arith.addi %mul3A_125, %add3A_126 : i32
        %mul3A_128 = arith.constant 512 : i32
        %mul3A_129 = arith.muli %add3A_127, %mul3A_128 : i32
        %mul3A_130 = arith.constant 8 : i32
        %mul3A_131 = arith.muli %scan3A_86, %mul3A_130 : i32
        %add3A_132 = arith.constant 7 : i32
        %add3A_133 = arith.addi %mul3A_131, %add3A_132 : i32
        %mul3A_134 = arith.constant 512 : i32
        %mul3A_135 = arith.muli %add3A_133, %mul3A_134 : i32
        %broadcast_in_dim3A_136 = vector.broadcast %squeeze3A : f32 to vector<16xf32>
        %broadcast_in_dim3A_137 = vector.broadcast %squeeze3A : f32 to vector<16xf32>
        %broadcast_in_dim3A_138 = vector.broadcast %squeeze3A : f32 to vector<16xf32>
        %broadcast_in_dim3A_139 = vector.broadcast %squeeze3A : f32 to vector<16xf32>
        %broadcast_in_dim3A_140 = vector.broadcast %squeeze3A : f32 to vector<16xf32>
        %broadcast_in_dim3A_141 = vector.broadcast %squeeze3A : f32 to vector<16xf32>
        %broadcast_in_dim3A_142 = vector.broadcast %squeeze3A : f32 to vector<16xf32>
        %broadcast_in_dim3A_143 = vector.broadcast %squeeze3A : f32 to vector<16xf32>
        %parallel_loop3A = arith.constant 0 : i32
        %parallel_loop3A_144 = arith.constant 496 : i32
        %parallel_loop3A_145 = arith.constant 16 : i32
        %parallel_loop3A_146:8 = scf.for %parallel_loop3A_415 = %parallel_loop3A to %parallel_loop3A_144 step %parallel_loop3A_145 iter_args(%parallel_loop3A_416 = %broadcast_in_dim3A_136, %parallel_loop3A_417 = %broadcast_in_dim3A_137, %parallel_loop3A_418 = %broadcast_in_dim3A_138, %parallel_loop3A_419 = %broadcast_in_dim3A_139, %parallel_loop3A_420 = %broadcast_in_dim3A_140, %parallel_loop3A_421 = %broadcast_in_dim3A_141, %parallel_loop3A_422 = %broadcast_in_dim3A_142, %parallel_loop3A_423 = %broadcast_in_dim3A_143) -> (vector<16xf32>, vector<16xf32>, vector<16xf32>, vector<16xf32>, vector<16xf32>, vector<16xf32>, vector<16xf32>, vector<16xf32>)  : i32 {
          %parallel_loop3A_424 = arith.addi %mul3A_93, %parallel_loop3A_415 : i32
          %parallel_loop3A_425 = arith.index_cast %parallel_loop3A_424 : i32 to index
          %parallel_loop3A_426 = tpu.vector_load %arg5[%parallel_loop3A_425] {strides = array<i32>} : memref<32784xf32, #tpu.memory_space<vmem>>, vector<16xf32>,
          %parallel_loop3A_427 = arith.maximumf %parallel_loop3A_416, %parallel_loop3A_426 : vector<16xf32>
          %parallel_loop3A_428 = arith.addi %mul3A_99, %parallel_loop3A_415 : i32
          %parallel_loop3A_429 = arith.index_cast %parallel_loop3A_428 : i32 to index
          %parallel_loop3A_430 = tpu.vector_load %arg5[%parallel_loop3A_429] {strides = array<i32>} : memref<32784xf32, #tpu.memory_space<vmem>>, vector<16xf32>,
          %parallel_loop3A_431 = arith.maximumf %parallel_loop3A_417, %parallel_loop3A_430 : vector<16xf32>
          %parallel_loop3A_432 = arith.addi %mul3A_105, %parallel_loop3A_415 : i32
          %parallel_loop3A_433 = arith.index_cast %parallel_loop3A_432 : i32 to index
          %parallel_loop3A_434 = tpu.vector_load %arg5[%parallel_loop3A_433] {strides = array<i32>} : memref<32784xf32, #tpu.memory_space<vmem>>, vector<16xf32>,
          %parallel_loop3A_435 = arith.maximumf %parallel_loop3A_418, %parallel_loop3A_434 : vector<16xf32>
          %parallel_loop3A_436 = arith.addi %mul3A_111, %parallel_loop3A_415 : i32
          %parallel_loop3A_437 = arith.index_cast %parallel_loop3A_436 : i32 to index
          %parallel_loop3A_438 = tpu.vector_load %arg5[%parallel_loop3A_437] {strides = array<i32>} : memref<32784xf32, #tpu.memory_space<vmem>>, vector<16xf32>,
          %parallel_loop3A_439 = arith.maximumf %parallel_loop3A_419, %parallel_loop3A_438 : vector<16xf32>
          %parallel_loop3A_440 = arith.addi %mul3A_117, %parallel_loop3A_415 : i32
          %parallel_loop3A_441 = arith.index_cast %parallel_loop3A_440 : i32 to index
          %parallel_loop3A_442 = tpu.vector_load %arg5[%parallel_loop3A_441] {strides = array<i32>} : memref<32784xf32, #tpu.memory_space<vmem>>, vector<16xf32>,
          %parallel_loop3A_443 = arith.maximumf %parallel_loop3A_420, %parallel_loop3A_442 : vector<16xf32>
          %parallel_loop3A_444 = arith.addi %mul3A_123, %parallel_loop3A_415 : i32
          %parallel_loop3A_445 = arith.index_cast %parallel_loop3A_444 : i32 to index
          %parallel_loop3A_446 = tpu.vector_load %arg5[%parallel_loop3A_445] {strides = array<i32>} : memref<32784xf32, #tpu.memory_space<vmem>>, vector<16xf32>,
          %parallel_loop3A_447 = arith.maximumf %parallel_loop3A_421, %parallel_loop3A_446 : vector<16xf32>
          %parallel_loop3A_448 = arith.addi %mul3A_129, %parallel_loop3A_415 : i32
          %parallel_loop3A_449 = arith.index_cast %parallel_loop3A_448 : i32 to index
          %parallel_loop3A_450 = tpu.vector_load %arg5[%parallel_loop3A_449] {strides = array<i32>} : memref<32784xf32, #tpu.memory_space<vmem>>, vector<16xf32>,
          %parallel_loop3A_451 = arith.maximumf %parallel_loop3A_422, %parallel_loop3A_450 : vector<16xf32>
          %parallel_loop3A_452 = arith.addi %mul3A_135, %parallel_loop3A_415 : i32
          %parallel_loop3A_453 = arith.index_cast %parallel_loop3A_452 : i32 to index
          %parallel_loop3A_454 = tpu.vector_load %arg5[%parallel_loop3A_453] {strides = array<i32>} : memref<32784xf32, #tpu.memory_space<vmem>>, vector<16xf32>,
          %parallel_loop3A_455 = arith.maximumf %parallel_loop3A_423, %parallel_loop3A_454 : vector<16xf32>
          scf.yield %parallel_loop3A_427, %parallel_loop3A_431, %parallel_loop3A_435, %parallel_loop3A_439, %parallel_loop3A_443, %parallel_loop3A_447, %parallel_loop3A_451, %parallel_loop3A_455 : vector<16xf32>, vector<16xf32>, vector<16xf32>, vector<16xf32>, vector<16xf32>, vector<16xf32>, vector<16xf32>, vector<16xf32>
        } {sc.loop_unroll_factor = 1 : i64, sc.parallel_access}
        %add3A_147 = arith.constant 496 : i32
        %add3A_148 = arith.addi %mul3A_93, %add3A_147 : i32
        %get3A_149 = arith.index_cast %add3A_148 : i32 to index
        %get3A_150 = tpu.vector_load %arg5[%get3A_149] {strides = array<i32>} : memref<32784xf32, #tpu.memory_space<vmem>>, vector<16xf32>,
        %add3A_151 = arith.constant 1 : i32
        %add3A_152 = arith.addi %add3A_148, %add3A_151 : i32
        %get3A_153 = arith.index_cast %add3A_152 : i32 to index
        %get3A_154 = tpu.vector_load %arg5[%get3A_153] {strides = array<i32>} : memref<32784xf32, #tpu.memory_space<vmem>>, vector<16xf32>,
        %add3A_155 = arith.constant 2 : i32
        %add3A_156 = arith.addi %add3A_148, %add3A_155 : i32
        %get3A_157 = arith.index_cast %add3A_156 : i32 to index
        %get3A_158 = tpu.vector_load %arg5[%get3A_157] {strides = array<i32>} : memref<32784xf32, #tpu.memory_space<vmem>>, vector<16xf32>,
        %add3A_159 = arith.constant 3 : i32
        %add3A_160 = arith.addi %add3A_148, %add3A_159 : i32
        %get3A_161 = arith.index_cast %add3A_160 : i32 to index
        %get3A_162 = tpu.vector_load %arg5[%get3A_161] {strides = array<i32>} : memref<32784xf32, #tpu.memory_space<vmem>>, vector<16xf32>,
        %add3A_163 = arith.addf %get3A_150, %get3A_154 : vector<16xf32>
        %add3A_164 = arith.addf %get3A_158, %get3A_162 : vector<16xf32>
        %add3A_165 = arith.addf %add3A_163, %add3A_164 : vector<16xf32>
        %broadcast_in_dim3A_166 = vector.broadcast %squeeze3A : f32 to vector<16xf32>
        %select_n3A = arith.select %lt3A_7, %add3A_165, %broadcast_in_dim3A_166 : vector<16xi1>, vector<16xf32>
        %masked_sort3A = arith.constant dense<true> : vector<16xi1>
        %masked_sort3A_167, %masked_sort3A_168, %masked_sort3A_169 = tpu.sort %select_n3A, %select_n3A masked %masked_sort3A {descending = true} : (vector<16xf32>, vector<16xf32>, vector<16xi1>) -> (vector<16xi1>, vector<16xf32>, vector<16xf32>)
        %max3A = arith.maximumf %parallel_loop3A_146#0, %masked_sort3A_168 : vector<16xf32>
        %masked_sort3A_170 = arith.constant dense<true> : vector<16xi1>
        %masked_sort3A_171, %masked_sort3A_172, %masked_sort3A_173 = tpu.sort %max3A, %max3A masked %masked_sort3A_170 : (vector<16xf32>, vector<16xf32>, vector<16xi1>) -> (vector<16xi1>, vector<16xf32>, vector<16xf32>)
        %jit3A = arith.constant 0.000000e+00 : f32
        %broadcast_in_dim3A_174 = vector.broadcast %jit3A : f32 to vector<16xf32>
        %select_n3A_175 = arith.select %ge3A_5, %masked_sort3A_172, %broadcast_in_dim3A_174 : vector<16xi1>, vector<16xf32>
        %add3A_176 = arith.addf %scan3A_87, %select_n3A_175 : vector<16xf32>
        %add3A_177 = arith.constant 496 : i32
        %add3A_178 = arith.addi %mul3A_99, %add3A_177 : i32
        %get3A_179 = arith.index_cast %add3A_178 : i32 to index
        %get3A_180 = tpu.vector_load %arg5[%get3A_179] {strides = array<i32>} : memref<32784xf32, #tpu.memory_space<vmem>>, vector<16xf32>,
        %add3A_181 = arith.constant 1 : i32
        %add3A_182 = arith.addi %add3A_178, %add3A_181 : i32
        %get3A_183 = arith.index_cast %add3A_182 : i32 to index
        %get3A_184 = tpu.vector_load %arg5[%get3A_183] {strides = array<i32>} : memref<32784xf32, #tpu.memory_space<vmem>>, vector<16xf32>,
        %add3A_185 = arith.constant 2 : i32
        %add3A_186 = arith.addi %add3A_178, %add3A_185 : i32
        %get3A_187 = arith.index_cast %add3A_186 : i32 to index
        %get3A_188 = tpu.vector_load %arg5[%get3A_187] {strides = array<i32>} : memref<32784xf32, #tpu.memory_space<vmem>>, vector<16xf32>,
        %add3A_189 = arith.constant 3 : i32
        %add3A_190 = arith.addi %add3A_178, %add3A_189 : i32
        %get3A_191 = arith.index_cast %add3A_190 : i32 to index
        %get3A_192 = tpu.vector_load %arg5[%get3A_191] {strides = array<i32>} : memref<32784xf32, #tpu.memory_space<vmem>>, vector<16xf32>,
        %add3A_193 = arith.addf %get3A_180, %get3A_184 : vector<16xf32>
        %add3A_194 = arith.addf %get3A_188, %get3A_192 : vector<16xf32>
        %add3A_195 = arith.addf %add3A_193, %add3A_194 : vector<16xf32>
        %broadcast_in_dim3A_196 = vector.broadcast %squeeze3A : f32 to vector<16xf32>
        %select_n3A_197 = arith.select %lt3A_7, %add3A_195, %broadcast_in_dim3A_196 : vector<16xi1>, vector<16xf32>
        %masked_sort3A_198 = arith.constant dense<true> : vector<16xi1>
        %masked_sort3A_199, %masked_sort3A_200, %masked_sort3A_201 = tpu.sort %select_n3A_197, %select_n3A_197 masked %masked_sort3A_198 {descending = true} : (vector<16xf32>, vector<16xf32>, vector<16xi1>) -> (vector<16xi1>, vector<16xf32>, vector<16xf32>)
        %max3A_202 = arith.maximumf %parallel_loop3A_146#1, %masked_sort3A_200 : vector<16xf32>
        %masked_sort3A_203 = arith.constant dense<true> : vector<16xi1>
        %masked_sort3A_204, %masked_sort3A_205, %masked_sort3A_206 = tpu.sort %max3A_202, %max3A_202 masked %masked_sort3A_203 : (vector<16xf32>, vector<16xf32>, vector<16xi1>) -> (vector<16xi1>, vector<16xf32>, vector<16xf32>)
        %jit3A_207 = arith.constant 0.000000e+00 : f32
        %broadcast_in_dim3A_208 = vector.broadcast %jit3A_207 : f32 to vector<16xf32>
        %select_n3A_209 = arith.select %ge3A_5, %masked_sort3A_205, %broadcast_in_dim3A_208 : vector<16xi1>, vector<16xf32>
        %add3A_210 = arith.addf %add3A_176, %select_n3A_209 : vector<16xf32>
        %add3A_211 = arith.constant 496 : i32
        %add3A_212 = arith.addi %mul3A_105, %add3A_211 : i32
        %get3A_213 = arith.index_cast %add3A_212 : i32 to index
        %get3A_214 = tpu.vector_load %arg5[%get3A_213] {strides = array<i32>} : memref<32784xf32, #tpu.memory_space<vmem>>, vector<16xf32>,
        %add3A_215 = arith.constant 1 : i32
        %add3A_216 = arith.addi %add3A_212, %add3A_215 : i32
        %get3A_217 = arith.index_cast %add3A_216 : i32 to index
        %get3A_218 = tpu.vector_load %arg5[%get3A_217] {strides = array<i32>} : memref<32784xf32, #tpu.memory_space<vmem>>, vector<16xf32>,
        %add3A_219 = arith.constant 2 : i32
        %add3A_220 = arith.addi %add3A_212, %add3A_219 : i32
        %get3A_221 = arith.index_cast %add3A_220 : i32 to index
        %get3A_222 = tpu.vector_load %arg5[%get3A_221] {strides = array<i32>} : memref<32784xf32, #tpu.memory_space<vmem>>, vector<16xf32>,
        %add3A_223 = arith.constant 3 : i32
        %add3A_224 = arith.addi %add3A_212, %add3A_223 : i32
        %get3A_225 = arith.index_cast %add3A_224 : i32 to index
        %get3A_226 = tpu.vector_load %arg5[%get3A_225] {strides = array<i32>} : memref<32784xf32, #tpu.memory_space<vmem>>, vector<16xf32>,
        %add3A_227 = arith.addf %get3A_214, %get3A_218 : vector<16xf32>
        %add3A_228 = arith.addf %get3A_222, %get3A_226 : vector<16xf32>
        %add3A_229 = arith.addf %add3A_227, %add3A_228 : vector<16xf32>
        %broadcast_in_dim3A_230 = vector.broadcast %squeeze3A : f32 to vector<16xf32>
        %select_n3A_231 = arith.select %lt3A_7, %add3A_229, %broadcast_in_dim3A_230 : vector<16xi1>, vector<16xf32>
        %masked_sort3A_232 = arith.constant dense<true> : vector<16xi1>
        %masked_sort3A_233, %masked_sort3A_234, %masked_sort3A_235 = tpu.sort %select_n3A_231, %select_n3A_231 masked %masked_sort3A_232 {descending = true} : (vector<16xf32>, vector<16xf32>, vector<16xi1>) -> (vector<16xi1>, vector<16xf32>, vector<16xf32>)
        %max3A_236 = arith.maximumf %parallel_loop3A_146#2, %masked_sort3A_234 : vector<16xf32>
        %masked_sort3A_237 = arith.constant dense<true> : vector<16xi1>
        %masked_sort3A_238, %masked_sort3A_239, %masked_sort3A_240 = tpu.sort %max3A_236, %max3A_236 masked %masked_sort3A_237 : (vector<16xf32>, vector<16xf32>, vector<16xi1>) -> (vector<16xi1>, vector<16xf32>, vector<16xf32>)
        %jit3A_241 = arith.constant 0.000000e+00 : f32
        %broadcast_in_dim3A_242 = vector.broadcast %jit3A_241 : f32 to vector<16xf32>
        %select_n3A_243 = arith.select %ge3A_5, %masked_sort3A_239, %broadcast_in_dim3A_242 : vector<16xi1>, vector<16xf32>
        %add3A_244 = arith.addf %add3A_210, %select_n3A_243 : vector<16xf32>
        %add3A_245 = arith.constant 496 : i32
        %add3A_246 = arith.addi %mul3A_111, %add3A_245 : i32
        %get3A_247 = arith.index_cast %add3A_246 : i32 to index
        %get3A_248 = tpu.vector_load %arg5[%get3A_247] {strides = array<i32>} : memref<32784xf32, #tpu.memory_space<vmem>>, vector<16xf32>,
        %add3A_249 = arith.constant 1 : i32
        %add3A_250 = arith.addi %add3A_246, %add3A_249 : i32
        %get3A_251 = arith.index_cast %add3A_250 : i32 to index
        %get3A_252 = tpu.vector_load %arg5[%get3A_251] {strides = array<i32>} : memref<32784xf32, #tpu.memory_space<vmem>>, vector<16xf32>,
        %add3A_253 = arith.constant 2 : i32
        %add3A_254 = arith.addi %add3A_246, %add3A_253 : i32
        %get3A_255 = arith.index_cast %add3A_254 : i32 to index
        %get3A_256 = tpu.vector_load %arg5[%get3A_255] {strides = array<i32>} : memref<32784xf32, #tpu.memory_space<vmem>>, vector<16xf32>,
        %add3A_257 = arith.constant 3 : i32
        %add3A_258 = arith.addi %add3A_246, %add3A_257 : i32
        %get3A_259 = arith.index_cast %add3A_258 : i32 to index
        %get3A_260 = tpu.vector_load %arg5[%get3A_259] {strides = array<i32>} : memref<32784xf32, #tpu.memory_space<vmem>>, vector<16xf32>,
        %add3A_261 = arith.addf %get3A_248, %get3A_252 : vector<16xf32>
        %add3A_262 = arith.addf %get3A_256, %get3A_260 : vector<16xf32>
        %add3A_263 = arith.addf %add3A_261, %add3A_262 : vector<16xf32>
        %broadcast_in_dim3A_264 = vector.broadcast %squeeze3A : f32 to vector<16xf32>
        %select_n3A_265 = arith.select %lt3A_7, %add3A_263, %broadcast_in_dim3A_264 : vector<16xi1>, vector<16xf32>
        %masked_sort3A_266 = arith.constant dense<true> : vector<16xi1>
        %masked_sort3A_267, %masked_sort3A_268, %masked_sort3A_269 = tpu.sort %select_n3A_265, %select_n3A_265 masked %masked_sort3A_266 {descending = true} : (vector<16xf32>, vector<16xf32>, vector<16xi1>) -> (vector<16xi1>, vector<16xf32>, vector<16xf32>)
        %max3A_270 = arith.maximumf %parallel_loop3A_146#3, %masked_sort3A_268 : vector<16xf32>
        %masked_sort3A_271 = arith.constant dense<true> : vector<16xi1>
        %masked_sort3A_272, %masked_sort3A_273, %masked_sort3A_274 = tpu.sort %max3A_270, %max3A_270 masked %masked_sort3A_271 : (vector<16xf32>, vector<16xf32>, vector<16xi1>) -> (vector<16xi1>, vector<16xf32>, vector<16xf32>)
        %jit3A_275 = arith.constant 0.000000e+00 : f32
        %broadcast_in_dim3A_276 = vector.broadcast %jit3A_275 : f32 to vector<16xf32>
        %select_n3A_277 = arith.select %ge3A_5, %masked_sort3A_273, %broadcast_in_dim3A_276 : vector<16xi1>, vector<16xf32>
        %add3A_278 = arith.addf %add3A_244, %select_n3A_277 : vector<16xf32>
        %add3A_279 = arith.constant 496 : i32
        %add3A_280 = arith.addi %mul3A_117, %add3A_279 : i32
        %get3A_281 = arith.index_cast %add3A_280 : i32 to index
        %get3A_282 = tpu.vector_load %arg5[%get3A_281] {strides = array<i32>} : memref<32784xf32, #tpu.memory_space<vmem>>, vector<16xf32>,
        %add3A_283 = arith.constant 1 : i32
        %add3A_284 = arith.addi %add3A_280, %add3A_283 : i32
        %get3A_285 = arith.index_cast %add3A_284 : i32 to index
        %get3A_286 = tpu.vector_load %arg5[%get3A_285] {strides = array<i32>} : memref<32784xf32, #tpu.memory_space<vmem>>, vector<16xf32>,
        %add3A_287 = arith.constant 2 : i32
        %add3A_288 = arith.addi %add3A_280, %add3A_287 : i32
        %get3A_289 = arith.index_cast %add3A_288 : i32 to index
        %get3A_290 = tpu.vector_load %arg5[%get3A_289] {strides = array<i32>} : memref<32784xf32, #tpu.memory_space<vmem>>, vector<16xf32>,
        %add3A_291 = arith.constant 3 : i32
        %add3A_292 = arith.addi %add3A_280, %add3A_291 : i32
        %get3A_293 = arith.index_cast %add3A_292 : i32 to index
        %get3A_294 = tpu.vector_load %arg5[%get3A_293] {strides = array<i32>} : memref<32784xf32, #tpu.memory_space<vmem>>, vector<16xf32>,
        %add3A_295 = arith.addf %get3A_282, %get3A_286 : vector<16xf32>
        %add3A_296 = arith.addf %get3A_290, %get3A_294 : vector<16xf32>
        %add3A_297 = arith.addf %add3A_295, %add3A_296 : vector<16xf32>
        %broadcast_in_dim3A_298 = vector.broadcast %squeeze3A : f32 to vector<16xf32>
        %select_n3A_299 = arith.select %lt3A_7, %add3A_297, %broadcast_in_dim3A_298 : vector<16xi1>, vector<16xf32>
        %masked_sort3A_300 = arith.constant dense<true> : vector<16xi1>
        %masked_sort3A_301, %masked_sort3A_302, %masked_sort3A_303 = tpu.sort %select_n3A_299, %select_n3A_299 masked %masked_sort3A_300 {descending = true} : (vector<16xf32>, vector<16xf32>, vector<16xi1>) -> (vector<16xi1>, vector<16xf32>, vector<16xf32>)
        %max3A_304 = arith.maximumf %parallel_loop3A_146#4, %masked_sort3A_302 : vector<16xf32>
        %masked_sort3A_305 = arith.constant dense<true> : vector<16xi1>
        %masked_sort3A_306, %masked_sort3A_307, %masked_sort3A_308 = tpu.sort %max3A_304, %max3A_304 masked %masked_sort3A_305 : (vector<16xf32>, vector<16xf32>, vector<16xi1>) -> (vector<16xi1>, vector<16xf32>, vector<16xf32>)
        %jit3A_309 = arith.constant 0.000000e+00 : f32
        %broadcast_in_dim3A_310 = vector.broadcast %jit3A_309 : f32 to vector<16xf32>
        %select_n3A_311 = arith.select %ge3A_5, %masked_sort3A_307, %broadcast_in_dim3A_310 : vector<16xi1>, vector<16xf32>
        %add3A_312 = arith.addf %add3A_278, %select_n3A_311 : vector<16xf32>
        %add3A_313 = arith.constant 496 : i32
        %add3A_314 = arith.addi %mul3A_123, %add3A_313 : i32
        %get3A_315 = arith.index_cast %add3A_314 : i32 to index
        %get3A_316 = tpu.vector_load %arg5[%get3A_315] {strides = array<i32>} : memref<32784xf32, #tpu.memory_space<vmem>>, vector<16xf32>,
        %add3A_317 = arith.constant 1 : i32
        %add3A_318 = arith.addi %add3A_314, %add3A_317 : i32
        %get3A_319 = arith.index_cast %add3A_318 : i32 to index
        %get3A_320 = tpu.vector_load %arg5[%get3A_319] {strides = array<i32>} : memref<32784xf32, #tpu.memory_space<vmem>>, vector<16xf32>,
        %add3A_321 = arith.constant 2 : i32
        %add3A_322 = arith.addi %add3A_314, %add3A_321 : i32
        %get3A_323 = arith.index_cast %add3A_322 : i32 to index
        %get3A_324 = tpu.vector_load %arg5[%get3A_323] {strides = array<i32>} : memref<32784xf32, #tpu.memory_space<vmem>>, vector<16xf32>,
        %add3A_325 = arith.constant 3 : i32
        %add3A_326 = arith.addi %add3A_314, %add3A_325 : i32
        %get3A_327 = arith.index_cast %add3A_326 : i32 to index
        %get3A_328 = tpu.vector_load %arg5[%get3A_327] {strides = array<i32>} : memref<32784xf32, #tpu.memory_space<vmem>>, vector<16xf32>,
        %add3A_329 = arith.addf %get3A_316, %get3A_320 : vector<16xf32>
        %add3A_330 = arith.addf %get3A_324, %get3A_328 : vector<16xf32>
        %add3A_331 = arith.addf %add3A_329, %add3A_330 : vector<16xf32>
        %broadcast_in_dim3A_332 = vector.broadcast %squeeze3A : f32 to vector<16xf32>
        %select_n3A_333 = arith.select %lt3A_7, %add3A_331, %broadcast_in_dim3A_332 : vector<16xi1>, vector<16xf32>
        %masked_sort3A_334 = arith.constant dense<true> : vector<16xi1>
        %masked_sort3A_335, %masked_sort3A_336, %masked_sort3A_337 = tpu.sort %select_n3A_333, %select_n3A_333 masked %masked_sort3A_334 {descending = true} : (vector<16xf32>, vector<16xf32>, vector<16xi1>) -> (vector<16xi1>, vector<16xf32>, vector<16xf32>)
        %max3A_338 = arith.maximumf %parallel_loop3A_146#5, %masked_sort3A_336 : vector<16xf32>
        %masked_sort3A_339 = arith.constant dense<true> : vector<16xi1>
        %masked_sort3A_340, %masked_sort3A_341, %masked_sort3A_342 = tpu.sort %max3A_338, %max3A_338 masked %masked_sort3A_339 : (vector<16xf32>, vector<16xf32>, vector<16xi1>) -> (vector<16xi1>, vector<16xf32>, vector<16xf32>)
        %jit3A_343 = arith.constant 0.000000e+00 : f32
        %broadcast_in_dim3A_344 = vector.broadcast %jit3A_343 : f32 to vector<16xf32>
        %select_n3A_345 = arith.select %ge3A_5, %masked_sort3A_341, %broadcast_in_dim3A_344 : vector<16xi1>, vector<16xf32>
        %add3A_346 = arith.addf %add3A_312, %select_n3A_345 : vector<16xf32>
        %add3A_347 = arith.constant 496 : i32
        %add3A_348 = arith.addi %mul3A_129, %add3A_347 : i32
        %get3A_349 = arith.index_cast %add3A_348 : i32 to index
        %get3A_350 = tpu.vector_load %arg5[%get3A_349] {strides = array<i32>} : memref<32784xf32, #tpu.memory_space<vmem>>, vector<16xf32>,
        %add3A_351 = arith.constant 1 : i32
        %add3A_352 = arith.addi %add3A_348, %add3A_351 : i32
        %get3A_353 = arith.index_cast %add3A_352 : i32 to index
        %get3A_354 = tpu.vector_load %arg5[%get3A_353] {strides = array<i32>} : memref<32784xf32, #tpu.memory_space<vmem>>, vector<16xf32>,
        %add3A_355 = arith.constant 2 : i32
        %add3A_356 = arith.addi %add3A_348, %add3A_355 : i32
        %get3A_357 = arith.index_cast %add3A_356 : i32 to index
        %get3A_358 = tpu.vector_load %arg5[%get3A_357] {strides = array<i32>} : memref<32784xf32, #tpu.memory_space<vmem>>, vector<16xf32>,
        %add3A_359 = arith.constant 3 : i32
        %add3A_360 = arith.addi %add3A_348, %add3A_359 : i32
        %get3A_361 = arith.index_cast %add3A_360 : i32 to index
        %get3A_362 = tpu.vector_load %arg5[%get3A_361] {strides = array<i32>} : memref<32784xf32, #tpu.memory_space<vmem>>, vector<16xf32>,
        %add3A_363 = arith.addf %get3A_350, %get3A_354 : vector<16xf32>
        %add3A_364 = arith.addf %get3A_358, %get3A_362 : vector<16xf32>
        %add3A_365 = arith.addf %add3A_363, %add3A_364 : vector<16xf32>
        %broadcast_in_dim3A_366 = vector.broadcast %squeeze3A : f32 to vector<16xf32>
        %select_n3A_367 = arith.select %lt3A_7, %add3A_365, %broadcast_in_dim3A_366 : vector<16xi1>, vector<16xf32>
        %masked_sort3A_368 = arith.constant dense<true> : vector<16xi1>
        %masked_sort3A_369, %masked_sort3A_370, %masked_sort3A_371 = tpu.sort %select_n3A_367, %select_n3A_367 masked %masked_sort3A_368 {descending = true} : (vector<16xf32>, vector<16xf32>, vector<16xi1>) -> (vector<16xi1>, vector<16xf32>, vector<16xf32>)
        %max3A_372 = arith.maximumf %parallel_loop3A_146#6, %masked_sort3A_370 : vector<16xf32>
        %masked_sort3A_373 = arith.constant dense<true> : vector<16xi1>
        %masked_sort3A_374, %masked_sort3A_375, %masked_sort3A_376 = tpu.sort %max3A_372, %max3A_372 masked %masked_sort3A_373 : (vector<16xf32>, vector<16xf32>, vector<16xi1>) -> (vector<16xi1>, vector<16xf32>, vector<16xf32>)
        %jit3A_377 = arith.constant 0.000000e+00 : f32
        %broadcast_in_dim3A_378 = vector.broadcast %jit3A_377 : f32 to vector<16xf32>
        %select_n3A_379 = arith.select %ge3A_5, %masked_sort3A_375, %broadcast_in_dim3A_378 : vector<16xi1>, vector<16xf32>
        %add3A_380 = arith.addf %add3A_346, %select_n3A_379 : vector<16xf32>
        %add3A_381 = arith.constant 496 : i32
        %add3A_382 = arith.addi %mul3A_135, %add3A_381 : i32
        %get3A_383 = arith.index_cast %add3A_382 : i32 to index
        %get3A_384 = tpu.vector_load %arg5[%get3A_383] {strides = array<i32>} : memref<32784xf32, #tpu.memory_space<vmem>>, vector<16xf32>,
        %add3A_385 = arith.constant 1 : i32
        %add3A_386 = arith.addi %add3A_382, %add3A_385 : i32
        %get3A_387 = arith.index_cast %add3A_386 : i32 to index
        %get3A_388 = tpu.vector_load %arg5[%get3A_387] {strides = array<i32>} : memref<32784xf32, #tpu.memory_space<vmem>>, vector<16xf32>,
        %add3A_389 = arith.constant 2 : i32
        %add3A_390 = arith.addi %add3A_382, %add3A_389 : i32
        %get3A_391 = arith.index_cast %add3A_390 : i32 to index
        %get3A_392 = tpu.vector_load %arg5[%get3A_391] {strides = array<i32>} : memref<32784xf32, #tpu.memory_space<vmem>>, vector<16xf32>,
        %add3A_393 = arith.constant 3 : i32
        %add3A_394 = arith.addi %add3A_382, %add3A_393 : i32
        %get3A_395 = arith.index_cast %add3A_394 : i32 to index
        %get3A_396 = tpu.vector_load %arg5[%get3A_395] {strides = array<i32>} : memref<32784xf32, #tpu.memory_space<vmem>>, vector<16xf32>,
        %add3A_397 = arith.addf %get3A_384, %get3A_388 : vector<16xf32>
        %add3A_398 = arith.addf %get3A_392, %get3A_396 : vector<16xf32>
        %add3A_399 = arith.addf %add3A_397, %add3A_398 : vector<16xf32>
        %broadcast_in_dim3A_400 = vector.broadcast %squeeze3A : f32 to vector<16xf32>
        %select_n3A_401 = arith.select %lt3A_7, %add3A_399, %broadcast_in_dim3A_400 : vector<16xi1>, vector<16xf32>
        %masked_sort3A_402 = arith.constant dense<true> : vector<16xi1>
        %masked_sort3A_403, %masked_sort3A_404, %masked_sort3A_405 = tpu.sort %select_n3A_401, %select_n3A_401 masked %masked_sort3A_402 {descending = true} : (vector<16xf32>, vector<16xf32>, vector<16xi1>) -> (vector<16xi1>, vector<16xf32>, vector<16xf32>)
        %max3A_406 = arith.maximumf %parallel_loop3A_146#7, %masked_sort3A_404 : vector<16xf32>
        %masked_sort3A_407 = arith.constant dense<true> : vector<16xi1>
        %masked_sort3A_408, %masked_sort3A_409, %masked_sort3A_410 = tpu.sort %max3A_406, %max3A_406 masked %masked_sort3A_407 : (vector<16xf32>, vector<16xf32>, vector<16xi1>) -> (vector<16xi1>, vector<16xf32>, vector<16xf32>)
        %jit3A_411 = arith.constant 0.000000e+00 : f32
        %broadcast_in_dim3A_412 = vector.broadcast %jit3A_411 : f32 to vector<16xf32>
        %select_n3A_413 = arith.select %ge3A_5, %masked_sort3A_409, %broadcast_in_dim3A_412 : vector<16xi1>, vector<16xf32>
        %add3A_414 = arith.addf %add3A_380, %select_n3A_413 : vector<16xf32>
        scf.yield %add3A_414 : vector<16xf32>
      }
      %scan3A_50 = arith.constant 8 : i32
      %add3A_51 = arith.constant 1 : i32
      %add3A_52 = arith.addi %scan3A_35, %add3A_51 : i32
      %lt3A_53 = arith.constant 32 : i32
      %lt3A_54 = arith.cmpi slt, %add3A_52, %lt3A_53 : i32
      %convert_element_type3A = arith.extui %lt3A_54 : i1 to i32
      %cond3A = arith.constant 0 : i32
      %cond3A_55 = arith.cmpi ne, %convert_element_type3A, %cond3A : i32
      scf.if %cond3A_55 {
        %add3A_86 = arith.constant 1 : i32
        %add3A_87 = arith.addi %scan3A_35, %add3A_86 : i32
        %mul3A_88 = arith.constant 2 : i32
        %mul3A_89 = arith.muli %mul3A_88, %add3A_87 : i32
        %mul3A_90 = arith.constant 64 : i32
        %mul3A_91 = arith.muli %mul3A_89, %mul3A_90 : i32
        %add3A_92 = arith.addi %mul3A_3, %mul3A_91 : i32
        %mul3A_93 = arith.constant 512 : i32
        %mul3A_94 = arith.muli %add3A_92, %mul3A_93 : i32
        %dma_start3A_95 = arith.constant 0 : i32
        %dma_start3A_96 = tpu.memref_slice %arg5[%dma_start3A_95] : memref<32784xf32, #tpu.memory_space<vmem>> -> memref<32768xf32, #tpu.memory_space<vmem>>
        %dma_start3A_97 = tpu.memref_slice %arg2[%mul3A_94] : memref<67108864xf32, #tpu.memory_space<hbm>> -> memref<32768xf32, #tpu.memory_space<hbm>>
        %dma_start3A_98 = arith.constant 0 : i32
        %dma_start3A_99 = tpu.memref_slice %arg5[%dma_start3A_98] : memref<32784xf32, #tpu.memory_space<vmem>> -> memref<32768xf32, #tpu.memory_space<vmem>>
        %dma_start3A_100 = tpu.memref_slice %arg2[%mul3A_94] : memref<67108864xf32, #tpu.memory_space<hbm>> -> memref<32768xf32, #tpu.memory_space<hbm>>
        tpu.enqueue_dma source(%dma_start3A_100 : memref<32768xf32, #tpu.memory_space<hbm>>) target(%dma_start3A_99 : memref<32768xf32, #tpu.memory_space<vmem>>) target_semaphore(%arg8 : memref<!tpu.dma_semaphore, #tpu.memory_space<semaphore_mem>>)
      } else {
      }
      %dma_wait3A_56 = arith.constant 0 : i32
      %dma_wait3A_57 = tpu.memref_slice %arg6[%dma_wait3A_56] : memref<32784xf32, #tpu.memory_space<vmem>> -> memref<32768xf32, #tpu.memory_space<vmem>>
      %dma_wait3A_58 = arith.constant 0 : i32
      %dma_wait3A_59 = tpu.memref_slice %arg2[%dma_wait3A_58] : memref<67108864xf32, #tpu.memory_space<hbm>> -> memref<32768xf32, #tpu.memory_space<hbm>>
      %dma_wait3A_60 = arith.constant 0 : i32
      %dma_wait3A_61 = tpu.memref_slice %arg6[%dma_wait3A_60] : memref<32784xf32, #tpu.memory_space<vmem>> -> memref<32768xf32, #tpu.memory_space<vmem>>
      %dma_wait3A_62 = arith.constant 0 : i32
      %dma_wait3A_63 = tpu.memref_slice %arg2[%dma_wait3A_62] : memref<67108864xf32, #tpu.memory_space<hbm>> -> memref<32768xf32, #tpu.memory_space<hbm>>
      tpu.wait_dma2 semaphore(%arg9 : memref<!tpu.dma_semaphore, #tpu.memory_space<semaphore_mem>>) src(%dma_wait3A_63 : memref<32768xf32, #tpu.memory_space<hbm>>) dst(%dma_wait3A_61 : memref<32768xf32, #tpu.memory_space<vmem>>)
      %scan3A_64 = arith.constant 0 : i32
      %scan3A_65 = arith.constant 8 : i32
      %scan3A_66 = arith.addi %scan3A_64, %scan3A_65 : i32
      %scan3A_67 = arith.constant 1 : i32
      %scan3A_68 = scf.for %scan3A_86 = %scan3A_64 to %scan3A_66 step %scan3A_67 iter_args(%scan3A_87 = %scan3A_49) -> (vector<16xf32>)  : i32 {
        %mul3A_88 = arith.constant 8 : i32
        %mul3A_89 = arith.muli %scan3A_86, %mul3A_88 : i32
        %add3A_90 = arith.constant 0 : i32
        %add3A_91 = arith.addi %mul3A_89, %add3A_90 : i32
        %mul3A_92 = arith.constant 512 : i32
        %mul3A_93 = arith.muli %add3A_91, %mul3A_92 : i32
        %mul3A_94 = arith.constant 8 : i32
        %mul3A_95 = arith.muli %scan3A_86, %mul3A_94 : i32
        %add3A_96 = arith.constant 1 : i32
        %add3A_97 = arith.addi %mul3A_95, %add3A_96 : i32
        %mul3A_98 = arith.constant 512 : i32
        %mul3A_99 = arith.muli %add3A_97, %mul3A_98 : i32
        %mul3A_100 = arith.constant 8 : i32
        %mul3A_101 = arith.muli %scan3A_86, %mul3A_100 : i32
        %add3A_102 = arith.constant 2 : i32
        %add3A_103 = arith.addi %mul3A_101, %add3A_102 : i32
        %mul3A_104 = arith.constant 512 : i32
        %mul3A_105 = arith.muli %add3A_103, %mul3A_104 : i32
        %mul3A_106 = arith.constant 8 : i32
        %mul3A_107 = arith.muli %scan3A_86, %mul3A_106 : i32
        %add3A_108 = arith.constant 3 : i32
        %add3A_109 = arith.addi %mul3A_107, %add3A_108 : i32
        %mul3A_110 = arith.constant 512 : i32
        %mul3A_111 = arith.muli %add3A_109, %mul3A_110 : i32
        %mul3A_112 = arith.constant 8 : i32
        %mul3A_113 = arith.muli %scan3A_86, %mul3A_112 : i32
        %add3A_114 = arith.constant 4 : i32
        %add3A_115 = arith.addi %mul3A_113, %add3A_114 : i32
        %mul3A_116 = arith.constant 512 : i32
        %mul3A_117 = arith.muli %add3A_115, %mul3A_116 : i32
        %mul3A_118 = arith.constant 8 : i32
        %mul3A_119 = arith.muli %scan3A_86, %mul3A_118 : i32
        %add3A_120 = arith.constant 5 : i32
        %add3A_121 = arith.addi %mul3A_119, %add3A_120 : i32
        %mul3A_122 = arith.constant 512 : i32
        %mul3A_123 = arith.muli %add3A_121, %mul3A_122 : i32
        %mul3A_124 = arith.constant 8 : i32
        %mul3A_125 = arith.muli %scan3A_86, %mul3A_124 : i32
        %add3A_126 = arith.constant 6 : i32
        %add3A_127 = arith.addi %mul3A_125, %add3A_126 : i32
        %mul3A_128 = arith.constant 512 : i32
        %mul3A_129 = arith.muli %add3A_127, %mul3A_128 : i32
        %mul3A_130 = arith.constant 8 : i32
        %mul3A_131 = arith.muli %scan3A_86, %mul3A_130 : i32
        %add3A_132 = arith.constant 7 : i32
        %add3A_133 = arith.addi %mul3A_131, %add3A_132 : i32
        %mul3A_134 = arith.constant 512 : i32
        %mul3A_135 = arith.muli %add3A_133, %mul3A_134 : i32
        %broadcast_in_dim3A_136 = vector.broadcast %squeeze3A : f32 to vector<16xf32>
        %broadcast_in_dim3A_137 = vector.broadcast %squeeze3A : f32 to vector<16xf32>
        %broadcast_in_dim3A_138 = vector.broadcast %squeeze3A : f32 to vector<16xf32>
        %broadcast_in_dim3A_139 = vector.broadcast %squeeze3A : f32 to vector<16xf32>
        %broadcast_in_dim3A_140 = vector.broadcast %squeeze3A : f32 to vector<16xf32>
        %broadcast_in_dim3A_141 = vector.broadcast %squeeze3A : f32 to vector<16xf32>
        %broadcast_in_dim3A_142 = vector.broadcast %squeeze3A : f32 to vector<16xf32>
        %broadcast_in_dim3A_143 = vector.broadcast %squeeze3A : f32 to vector<16xf32>
        %parallel_loop3A = arith.constant 0 : i32
        %parallel_loop3A_144 = arith.constant 496 : i32
        %parallel_loop3A_145 = arith.constant 16 : i32
        %parallel_loop3A_146:8 = scf.for %parallel_loop3A_415 = %parallel_loop3A to %parallel_loop3A_144 step %parallel_loop3A_145 iter_args(%parallel_loop3A_416 = %broadcast_in_dim3A_136, %parallel_loop3A_417 = %broadcast_in_dim3A_137, %parallel_loop3A_418 = %broadcast_in_dim3A_138, %parallel_loop3A_419 = %broadcast_in_dim3A_139, %parallel_loop3A_420 = %broadcast_in_dim3A_140, %parallel_loop3A_421 = %broadcast_in_dim3A_141, %parallel_loop3A_422 = %broadcast_in_dim3A_142, %parallel_loop3A_423 = %broadcast_in_dim3A_143) -> (vector<16xf32>, vector<16xf32>, vector<16xf32>, vector<16xf32>, vector<16xf32>, vector<16xf32>, vector<16xf32>, vector<16xf32>)  : i32 {
          %parallel_loop3A_424 = arith.addi %mul3A_93, %parallel_loop3A_415 : i32
          %parallel_loop3A_425 = arith.index_cast %parallel_loop3A_424 : i32 to index
          %parallel_loop3A_426 = tpu.vector_load %arg6[%parallel_loop3A_425] {strides = array<i32>} : memref<32784xf32, #tpu.memory_space<vmem>>, vector<16xf32>,
          %parallel_loop3A_427 = arith.maximumf %parallel_loop3A_416, %parallel_loop3A_426 : vector<16xf32>
          %parallel_loop3A_428 = arith.addi %mul3A_99, %parallel_loop3A_415 : i32
          %parallel_loop3A_429 = arith.index_cast %parallel_loop3A_428 : i32 to index
          %parallel_loop3A_430 = tpu.vector_load %arg6[%parallel_loop3A_429] {strides = array<i32>} : memref<32784xf32, #tpu.memory_space<vmem>>, vector<16xf32>,
          %parallel_loop3A_431 = arith.maximumf %parallel_loop3A_417, %parallel_loop3A_430 : vector<16xf32>
          %parallel_loop3A_432 = arith.addi %mul3A_105, %parallel_loop3A_415 : i32
          %parallel_loop3A_433 = arith.index_cast %parallel_loop3A_432 : i32 to index
          %parallel_loop3A_434 = tpu.vector_load %arg6[%parallel_loop3A_433] {strides = array<i32>} : memref<32784xf32, #tpu.memory_space<vmem>>, vector<16xf32>,
          %parallel_loop3A_435 = arith.maximumf %parallel_loop3A_418, %parallel_loop3A_434 : vector<16xf32>
          %parallel_loop3A_436 = arith.addi %mul3A_111, %parallel_loop3A_415 : i32
          %parallel_loop3A_437 = arith.index_cast %parallel_loop3A_436 : i32 to index
          %parallel_loop3A_438 = tpu.vector_load %arg6[%parallel_loop3A_437] {strides = array<i32>} : memref<32784xf32, #tpu.memory_space<vmem>>, vector<16xf32>,
          %parallel_loop3A_439 = arith.maximumf %parallel_loop3A_419, %parallel_loop3A_438 : vector<16xf32>
          %parallel_loop3A_440 = arith.addi %mul3A_117, %parallel_loop3A_415 : i32
          %parallel_loop3A_441 = arith.index_cast %parallel_loop3A_440 : i32 to index
          %parallel_loop3A_442 = tpu.vector_load %arg6[%parallel_loop3A_441] {strides = array<i32>} : memref<32784xf32, #tpu.memory_space<vmem>>, vector<16xf32>,
          %parallel_loop3A_443 = arith.maximumf %parallel_loop3A_420, %parallel_loop3A_442 : vector<16xf32>
          %parallel_loop3A_444 = arith.addi %mul3A_123, %parallel_loop3A_415 : i32
          %parallel_loop3A_445 = arith.index_cast %parallel_loop3A_444 : i32 to index
          %parallel_loop3A_446 = tpu.vector_load %arg6[%parallel_loop3A_445] {strides = array<i32>} : memref<32784xf32, #tpu.memory_space<vmem>>, vector<16xf32>,
          %parallel_loop3A_447 = arith.maximumf %parallel_loop3A_421, %parallel_loop3A_446 : vector<16xf32>
          %parallel_loop3A_448 = arith.addi %mul3A_129, %parallel_loop3A_415 : i32
          %parallel_loop3A_449 = arith.index_cast %parallel_loop3A_448 : i32 to index
          %parallel_loop3A_450 = tpu.vector_load %arg6[%parallel_loop3A_449] {strides = array<i32>} : memref<32784xf32, #tpu.memory_space<vmem>>, vector<16xf32>,
          %parallel_loop3A_451 = arith.maximumf %parallel_loop3A_422, %parallel_loop3A_450 : vector<16xf32>
          %parallel_loop3A_452 = arith.addi %mul3A_135, %parallel_loop3A_415 : i32
          %parallel_loop3A_453 = arith.index_cast %parallel_loop3A_452 : i32 to index
          %parallel_loop3A_454 = tpu.vector_load %arg6[%parallel_loop3A_453] {strides = array<i32>} : memref<32784xf32, #tpu.memory_space<vmem>>, vector<16xf32>,
          %parallel_loop3A_455 = arith.maximumf %parallel_loop3A_423, %parallel_loop3A_454 : vector<16xf32>
          scf.yield %parallel_loop3A_427, %parallel_loop3A_431, %parallel_loop3A_435, %parallel_loop3A_439, %parallel_loop3A_443, %parallel_loop3A_447, %parallel_loop3A_451, %parallel_loop3A_455 : vector<16xf32>, vector<16xf32>, vector<16xf32>, vector<16xf32>, vector<16xf32>, vector<16xf32>, vector<16xf32>, vector<16xf32>
        } {sc.loop_unroll_factor = 1 : i64, sc.parallel_access}
        %add3A_147 = arith.constant 496 : i32
        %add3A_148 = arith.addi %mul3A_93, %add3A_147 : i32
        %get3A_149 = arith.index_cast %add3A_148 : i32 to index
        %get3A_150 = tpu.vector_load %arg6[%get3A_149] {strides = array<i32>} : memref<32784xf32, #tpu.memory_space<vmem>>, vector<16xf32>,
        %add3A_151 = arith.constant 1 : i32
        %add3A_152 = arith.addi %add3A_148, %add3A_151 : i32
        %get3A_153 = arith.index_cast %add3A_152 : i32 to index
        %get3A_154 = tpu.vector_load %arg6[%get3A_153] {strides = array<i32>} : memref<32784xf32, #tpu.memory_space<vmem>>, vector<16xf32>,
        %add3A_155 = arith.constant 2 : i32
        %add3A_156 = arith.addi %add3A_148, %add3A_155 : i32
        %get3A_157 = arith.index_cast %add3A_156 : i32 to index
        %get3A_158 = tpu.vector_load %arg6[%get3A_157] {strides = array<i32>} : memref<32784xf32, #tpu.memory_space<vmem>>, vector<16xf32>,
        %add3A_159 = arith.constant 3 : i32
        %add3A_160 = arith.addi %add3A_148, %add3A_159 : i32
        %get3A_161 = arith.index_cast %add3A_160 : i32 to index
        %get3A_162 = tpu.vector_load %arg6[%get3A_161] {strides = array<i32>} : memref<32784xf32, #tpu.memory_space<vmem>>, vector<16xf32>,
        %add3A_163 = arith.addf %get3A_150, %get3A_154 : vector<16xf32>
        %add3A_164 = arith.addf %get3A_158, %get3A_162 : vector<16xf32>
        %add3A_165 = arith.addf %add3A_163, %add3A_164 : vector<16xf32>
        %broadcast_in_dim3A_166 = vector.broadcast %squeeze3A : f32 to vector<16xf32>
        %select_n3A = arith.select %lt3A_7, %add3A_165, %broadcast_in_dim3A_166 : vector<16xi1>, vector<16xf32>
        %masked_sort3A = arith.constant dense<true> : vector<16xi1>
        %masked_sort3A_167, %masked_sort3A_168, %masked_sort3A_169 = tpu.sort %select_n3A, %select_n3A masked %masked_sort3A {descending = true} : (vector<16xf32>, vector<16xf32>, vector<16xi1>) -> (vector<16xi1>, vector<16xf32>, vector<16xf32>)
        %max3A = arith.maximumf %parallel_loop3A_146#0, %masked_sort3A_168 : vector<16xf32>
        %masked_sort3A_170 = arith.constant dense<true> : vector<16xi1>
        %masked_sort3A_171, %masked_sort3A_172, %masked_sort3A_173 = tpu.sort %max3A, %max3A masked %masked_sort3A_170 : (vector<16xf32>, vector<16xf32>, vector<16xi1>) -> (vector<16xi1>, vector<16xf32>, vector<16xf32>)
        %jit3A = arith.constant 0.000000e+00 : f32
        %broadcast_in_dim3A_174 = vector.broadcast %jit3A : f32 to vector<16xf32>
        %select_n3A_175 = arith.select %ge3A_5, %masked_sort3A_172, %broadcast_in_dim3A_174 : vector<16xi1>, vector<16xf32>
        %add3A_176 = arith.addf %scan3A_87, %select_n3A_175 : vector<16xf32>
        %add3A_177 = arith.constant 496 : i32
        %add3A_178 = arith.addi %mul3A_99, %add3A_177 : i32
        %get3A_179 = arith.index_cast %add3A_178 : i32 to index
        %get3A_180 = tpu.vector_load %arg6[%get3A_179] {strides = array<i32>} : memref<32784xf32, #tpu.memory_space<vmem>>, vector<16xf32>,
        %add3A_181 = arith.constant 1 : i32
        %add3A_182 = arith.addi %add3A_178, %add3A_181 : i32
        %get3A_183 = arith.index_cast %add3A_182 : i32 to index
        %get3A_184 = tpu.vector_load %arg6[%get3A_183] {strides = array<i32>} : memref<32784xf32, #tpu.memory_space<vmem>>, vector<16xf32>,
        %add3A_185 = arith.constant 2 : i32
        %add3A_186 = arith.addi %add3A_178, %add3A_185 : i32
        %get3A_187 = arith.index_cast %add3A_186 : i32 to index
        %get3A_188 = tpu.vector_load %arg6[%get3A_187] {strides = array<i32>} : memref<32784xf32, #tpu.memory_space<vmem>>, vector<16xf32>,
        %add3A_189 = arith.constant 3 : i32
        %add3A_190 = arith.addi %add3A_178, %add3A_189 : i32
        %get3A_191 = arith.index_cast %add3A_190 : i32 to index
        %get3A_192 = tpu.vector_load %arg6[%get3A_191] {strides = array<i32>} : memref<32784xf32, #tpu.memory_space<vmem>>, vector<16xf32>,
        %add3A_193 = arith.addf %get3A_180, %get3A_184 : vector<16xf32>
        %add3A_194 = arith.addf %get3A_188, %get3A_192 : vector<16xf32>
        %add3A_195 = arith.addf %add3A_193, %add3A_194 : vector<16xf32>
        %broadcast_in_dim3A_196 = vector.broadcast %squeeze3A : f32 to vector<16xf32>
        %select_n3A_197 = arith.select %lt3A_7, %add3A_195, %broadcast_in_dim3A_196 : vector<16xi1>, vector<16xf32>
        %masked_sort3A_198 = arith.constant dense<true> : vector<16xi1>
        %masked_sort3A_199, %masked_sort3A_200, %masked_sort3A_201 = tpu.sort %select_n3A_197, %select_n3A_197 masked %masked_sort3A_198 {descending = true} : (vector<16xf32>, vector<16xf32>, vector<16xi1>) -> (vector<16xi1>, vector<16xf32>, vector<16xf32>)
        %max3A_202 = arith.maximumf %parallel_loop3A_146#1, %masked_sort3A_200 : vector<16xf32>
        %masked_sort3A_203 = arith.constant dense<true> : vector<16xi1>
        %masked_sort3A_204, %masked_sort3A_205, %masked_sort3A_206 = tpu.sort %max3A_202, %max3A_202 masked %masked_sort3A_203 : (vector<16xf32>, vector<16xf32>, vector<16xi1>) -> (vector<16xi1>, vector<16xf32>, vector<16xf32>)
        %jit3A_207 = arith.constant 0.000000e+00 : f32
        %broadcast_in_dim3A_208 = vector.broadcast %jit3A_207 : f32 to vector<16xf32>
        %select_n3A_209 = arith.select %ge3A_5, %masked_sort3A_205, %broadcast_in_dim3A_208 : vector<16xi1>, vector<16xf32>
        %add3A_210 = arith.addf %add3A_176, %select_n3A_209 : vector<16xf32>
        %add3A_211 = arith.constant 496 : i32
        %add3A_212 = arith.addi %mul3A_105, %add3A_211 : i32
        %get3A_213 = arith.index_cast %add3A_212 : i32 to index
        %get3A_214 = tpu.vector_load %arg6[%get3A_213] {strides = array<i32>} : memref<32784xf32, #tpu.memory_space<vmem>>, vector<16xf32>,
        %add3A_215 = arith.constant 1 : i32
        %add3A_216 = arith.addi %add3A_212, %add3A_215 : i32
        %get3A_217 = arith.index_cast %add3A_216 : i32 to index
        %get3A_218 = tpu.vector_load %arg6[%get3A_217] {strides = array<i32>} : memref<32784xf32, #tpu.memory_space<vmem>>, vector<16xf32>,
        %add3A_219 = arith.constant 2 : i32
        %add3A_220 = arith.addi %add3A_212, %add3A_219 : i32
        %get3A_221 = arith.index_cast %add3A_220 : i32 to index
        %get3A_222 = tpu.vector_load %arg6[%get3A_221] {strides = array<i32>} : memref<32784xf32, #tpu.memory_space<vmem>>, vector<16xf32>,
        %add3A_223 = arith.constant 3 : i32
        %add3A_224 = arith.addi %add3A_212, %add3A_223 : i32
        %get3A_225 = arith.index_cast %add3A_224 : i32 to index
        %get3A_226 = tpu.vector_load %arg6[%get3A_225] {strides = array<i32>} : memref<32784xf32, #tpu.memory_space<vmem>>, vector<16xf32>,
        %add3A_227 = arith.addf %get3A_214, %get3A_218 : vector<16xf32>
        %add3A_228 = arith.addf %get3A_222, %get3A_226 : vector<16xf32>
        %add3A_229 = arith.addf %add3A_227, %add3A_228 : vector<16xf32>
        %broadcast_in_dim3A_230 = vector.broadcast %squeeze3A : f32 to vector<16xf32>
        %select_n3A_231 = arith.select %lt3A_7, %add3A_229, %broadcast_in_dim3A_230 : vector<16xi1>, vector<16xf32>
        %masked_sort3A_232 = arith.constant dense<true> : vector<16xi1>
        %masked_sort3A_233, %masked_sort3A_234, %masked_sort3A_235 = tpu.sort %select_n3A_231, %select_n3A_231 masked %masked_sort3A_232 {descending = true} : (vector<16xf32>, vector<16xf32>, vector<16xi1>) -> (vector<16xi1>, vector<16xf32>, vector<16xf32>)
        %max3A_236 = arith.maximumf %parallel_loop3A_146#2, %masked_sort3A_234 : vector<16xf32>
        %masked_sort3A_237 = arith.constant dense<true> : vector<16xi1>
        %masked_sort3A_238, %masked_sort3A_239, %masked_sort3A_240 = tpu.sort %max3A_236, %max3A_236 masked %masked_sort3A_237 : (vector<16xf32>, vector<16xf32>, vector<16xi1>) -> (vector<16xi1>, vector<16xf32>, vector<16xf32>)
        %jit3A_241 = arith.constant 0.000000e+00 : f32
        %broadcast_in_dim3A_242 = vector.broadcast %jit3A_241 : f32 to vector<16xf32>
        %select_n3A_243 = arith.select %ge3A_5, %masked_sort3A_239, %broadcast_in_dim3A_242 : vector<16xi1>, vector<16xf32>
        %add3A_244 = arith.addf %add3A_210, %select_n3A_243 : vector<16xf32>
        %add3A_245 = arith.constant 496 : i32
        %add3A_246 = arith.addi %mul3A_111, %add3A_245 : i32
        %get3A_247 = arith.index_cast %add3A_246 : i32 to index
        %get3A_248 = tpu.vector_load %arg6[%get3A_247] {strides = array<i32>} : memref<32784xf32, #tpu.memory_space<vmem>>, vector<16xf32>,
        %add3A_249 = arith.constant 1 : i32
        %add3A_250 = arith.addi %add3A_246, %add3A_249 : i32
        %get3A_251 = arith.index_cast %add3A_250 : i32 to index
        %get3A_252 = tpu.vector_load %arg6[%get3A_251] {strides = array<i32>} : memref<32784xf32, #tpu.memory_space<vmem>>, vector<16xf32>,
        %add3A_253 = arith.constant 2 : i32
        %add3A_254 = arith.addi %add3A_246, %add3A_253 : i32
        %get3A_255 = arith.index_cast %add3A_254 : i32 to index
        %get3A_256 = tpu.vector_load %arg6[%get3A_255] {strides = array<i32>} : memref<32784xf32, #tpu.memory_space<vmem>>, vector<16xf32>,
        %add3A_257 = arith.constant 3 : i32
        %add3A_258 = arith.addi %add3A_246, %add3A_257 : i32
        %get3A_259 = arith.index_cast %add3A_258 : i32 to index
        %get3A_260 = tpu.vector_load %arg6[%get3A_259] {strides = array<i32>} : memref<32784xf32, #tpu.memory_space<vmem>>, vector<16xf32>,
        %add3A_261 = arith.addf %get3A_248, %get3A_252 : vector<16xf32>
        %add3A_262 = arith.addf %get3A_256, %get3A_260 : vector<16xf32>
        %add3A_263 = arith.addf %add3A_261, %add3A_262 : vector<16xf32>
        %broadcast_in_dim3A_264 = vector.broadcast %squeeze3A : f32 to vector<16xf32>
        %select_n3A_265 = arith.select %lt3A_7, %add3A_263, %broadcast_in_dim3A_264 : vector<16xi1>, vector<16xf32>
        %masked_sort3A_266 = arith.constant dense<true> : vector<16xi1>
        %masked_sort3A_267, %masked_sort3A_268, %masked_sort3A_269 = tpu.sort %select_n3A_265, %select_n3A_265 masked %masked_sort3A_266 {descending = true} : (vector<16xf32>, vector<16xf32>, vector<16xi1>) -> (vector<16xi1>, vector<16xf32>, vector<16xf32>)
        %max3A_270 = arith.maximumf %parallel_loop3A_146#3, %masked_sort3A_268 : vector<16xf32>
        %masked_sort3A_271 = arith.constant dense<true> : vector<16xi1>
        %masked_sort3A_272, %masked_sort3A_273, %masked_sort3A_274 = tpu.sort %max3A_270, %max3A_270 masked %masked_sort3A_271 : (vector<16xf32>, vector<16xf32>, vector<16xi1>) -> (vector<16xi1>, vector<16xf32>, vector<16xf32>)
        %jit3A_275 = arith.constant 0.000000e+00 : f32
        %broadcast_in_dim3A_276 = vector.broadcast %jit3A_275 : f32 to vector<16xf32>
        %select_n3A_277 = arith.select %ge3A_5, %masked_sort3A_273, %broadcast_in_dim3A_276 : vector<16xi1>, vector<16xf32>
        %add3A_278 = arith.addf %add3A_244, %select_n3A_277 : vector<16xf32>
        %add3A_279 = arith.constant 496 : i32
        %add3A_280 = arith.addi %mul3A_117, %add3A_279 : i32
        %get3A_281 = arith.index_cast %add3A_280 : i32 to index
        %get3A_282 = tpu.vector_load %arg6[%get3A_281] {strides = array<i32>} : memref<32784xf32, #tpu.memory_space<vmem>>, vector<16xf32>,
        %add3A_283 = arith.constant 1 : i32
        %add3A_284 = arith.addi %add3A_280, %add3A_283 : i32
        %get3A_285 = arith.index_cast %add3A_284 : i32 to index
        %get3A_286 = tpu.vector_load %arg6[%get3A_285] {strides = array<i32>} : memref<32784xf32, #tpu.memory_space<vmem>>, vector<16xf32>,
        %add3A_287 = arith.constant 2 : i32
        %add3A_288 = arith.addi %add3A_280, %add3A_287 : i32
        %get3A_289 = arith.index_cast %add3A_288 : i32 to index
        %get3A_290 = tpu.vector_load %arg6[%get3A_289] {strides = array<i32>} : memref<32784xf32, #tpu.memory_space<vmem>>, vector<16xf32>,
        %add3A_291 = arith.constant 3 : i32
        %add3A_292 = arith.addi %add3A_280, %add3A_291 : i32
        %get3A_293 = arith.index_cast %add3A_292 : i32 to index
        %get3A_294 = tpu.vector_load %arg6[%get3A_293] {strides = array<i32>} : memref<32784xf32, #tpu.memory_space<vmem>>, vector<16xf32>,
        %add3A_295 = arith.addf %get3A_282, %get3A_286 : vector<16xf32>
        %add3A_296 = arith.addf %get3A_290, %get3A_294 : vector<16xf32>
        %add3A_297 = arith.addf %add3A_295, %add3A_296 : vector<16xf32>
        %broadcast_in_dim3A_298 = vector.broadcast %squeeze3A : f32 to vector<16xf32>
        %select_n3A_299 = arith.select %lt3A_7, %add3A_297, %broadcast_in_dim3A_298 : vector<16xi1>, vector<16xf32>
        %masked_sort3A_300 = arith.constant dense<true> : vector<16xi1>
        %masked_sort3A_301, %masked_sort3A_302, %masked_sort3A_303 = tpu.sort %select_n3A_299, %select_n3A_299 masked %masked_sort3A_300 {descending = true} : (vector<16xf32>, vector<16xf32>, vector<16xi1>) -> (vector<16xi1>, vector<16xf32>, vector<16xf32>)
        %max3A_304 = arith.maximumf %parallel_loop3A_146#4, %masked_sort3A_302 : vector<16xf32>
        %masked_sort3A_305 = arith.constant dense<true> : vector<16xi1>
        %masked_sort3A_306, %masked_sort3A_307, %masked_sort3A_308 = tpu.sort %max3A_304, %max3A_304 masked %masked_sort3A_305 : (vector<16xf32>, vector<16xf32>, vector<16xi1>) -> (vector<16xi1>, vector<16xf32>, vector<16xf32>)
        %jit3A_309 = arith.constant 0.000000e+00 : f32
        %broadcast_in_dim3A_310 = vector.broadcast %jit3A_309 : f32 to vector<16xf32>
        %select_n3A_311 = arith.select %ge3A_5, %masked_sort3A_307, %broadcast_in_dim3A_310 : vector<16xi1>, vector<16xf32>
        %add3A_312 = arith.addf %add3A_278, %select_n3A_311 : vector<16xf32>
        %add3A_313 = arith.constant 496 : i32
        %add3A_314 = arith.addi %mul3A_123, %add3A_313 : i32
        %get3A_315 = arith.index_cast %add3A_314 : i32 to index
        %get3A_316 = tpu.vector_load %arg6[%get3A_315] {strides = array<i32>} : memref<32784xf32, #tpu.memory_space<vmem>>, vector<16xf32>,
        %add3A_317 = arith.constant 1 : i32
        %add3A_318 = arith.addi %add3A_314, %add3A_317 : i32
        %get3A_319 = arith.index_cast %add3A_318 : i32 to index
        %get3A_320 = tpu.vector_load %arg6[%get3A_319] {strides = array<i32>} : memref<32784xf32, #tpu.memory_space<vmem>>, vector<16xf32>,
        %add3A_321 = arith.constant 2 : i32
        %add3A_322 = arith.addi %add3A_314, %add3A_321 : i32
        %get3A_323 = arith.index_cast %add3A_322 : i32 to index
        %get3A_324 = tpu.vector_load %arg6[%get3A_323] {strides = array<i32>} : memref<32784xf32, #tpu.memory_space<vmem>>, vector<16xf32>,
        %add3A_325 = arith.constant 3 : i32
        %add3A_326 = arith.addi %add3A_314, %add3A_325 : i32
        %get3A_327 = arith.index_cast %add3A_326 : i32 to index
        %get3A_328 = tpu.vector_load %arg6[%get3A_327] {strides = array<i32>} : memref<32784xf32, #tpu.memory_space<vmem>>, vector<16xf32>,
        %add3A_329 = arith.addf %get3A_316, %get3A_320 : vector<16xf32>
        %add3A_330 = arith.addf %get3A_324, %get3A_328 : vector<16xf32>
        %add3A_331 = arith.addf %add3A_329, %add3A_330 : vector<16xf32>
        %broadcast_in_dim3A_332 = vector.broadcast %squeeze3A : f32 to vector<16xf32>
        %select_n3A_333 = arith.select %lt3A_7, %add3A_331, %broadcast_in_dim3A_332 : vector<16xi1>, vector<16xf32>
        %masked_sort3A_334 = arith.constant dense<true> : vector<16xi1>
        %masked_sort3A_335, %masked_sort3A_336, %masked_sort3A_337 = tpu.sort %select_n3A_333, %select_n3A_333 masked %masked_sort3A_334 {descending = true} : (vector<16xf32>, vector<16xf32>, vector<16xi1>) -> (vector<16xi1>, vector<16xf32>, vector<16xf32>)
        %max3A_338 = arith.maximumf %parallel_loop3A_146#5, %masked_sort3A_336 : vector<16xf32>
        %masked_sort3A_339 = arith.constant dense<true> : vector<16xi1>
        %masked_sort3A_340, %masked_sort3A_341, %masked_sort3A_342 = tpu.sort %max3A_338, %max3A_338 masked %masked_sort3A_339 : (vector<16xf32>, vector<16xf32>, vector<16xi1>) -> (vector<16xi1>, vector<16xf32>, vector<16xf32>)
        %jit3A_343 = arith.constant 0.000000e+00 : f32
        %broadcast_in_dim3A_344 = vector.broadcast %jit3A_343 : f32 to vector<16xf32>
        %select_n3A_345 = arith.select %ge3A_5, %masked_sort3A_341, %broadcast_in_dim3A_344 : vector<16xi1>, vector<16xf32>
        %add3A_346 = arith.addf %add3A_312, %select_n3A_345 : vector<16xf32>
        %add3A_347 = arith.constant 496 : i32
        %add3A_348 = arith.addi %mul3A_129, %add3A_347 : i32
        %get3A_349 = arith.index_cast %add3A_348 : i32 to index
        %get3A_350 = tpu.vector_load %arg6[%get3A_349] {strides = array<i32>} : memref<32784xf32, #tpu.memory_space<vmem>>, vector<16xf32>,
        %add3A_351 = arith.constant 1 : i32
        %add3A_352 = arith.addi %add3A_348, %add3A_351 : i32
        %get3A_353 = arith.index_cast %add3A_352 : i32 to index
        %get3A_354 = tpu.vector_load %arg6[%get3A_353] {strides = array<i32>} : memref<32784xf32, #tpu.memory_space<vmem>>, vector<16xf32>,
        %add3A_355 = arith.constant 2 : i32
        %add3A_356 = arith.addi %add3A_348, %add3A_355 : i32
        %get3A_357 = arith.index_cast %add3A_356 : i32 to index
        %get3A_358 = tpu.vector_load %arg6[%get3A_357] {strides = array<i32>} : memref<32784xf32, #tpu.memory_space<vmem>>, vector<16xf32>,
        %add3A_359 = arith.constant 3 : i32
        %add3A_360 = arith.addi %add3A_348, %add3A_359 : i32
        %get3A_361 = arith.index_cast %add3A_360 : i32 to index
        %get3A_362 = tpu.vector_load %arg6[%get3A_361] {strides = array<i32>} : memref<32784xf32, #tpu.memory_space<vmem>>, vector<16xf32>,
        %add3A_363 = arith.addf %get3A_350, %get3A_354 : vector<16xf32>
        %add3A_364 = arith.addf %get3A_358, %get3A_362 : vector<16xf32>
        %add3A_365 = arith.addf %add3A_363, %add3A_364 : vector<16xf32>
        %broadcast_in_dim3A_366 = vector.broadcast %squeeze3A : f32 to vector<16xf32>
        %select_n3A_367 = arith.select %lt3A_7, %add3A_365, %broadcast_in_dim3A_366 : vector<16xi1>, vector<16xf32>
        %masked_sort3A_368 = arith.constant dense<true> : vector<16xi1>
        %masked_sort3A_369, %masked_sort3A_370, %masked_sort3A_371 = tpu.sort %select_n3A_367, %select_n3A_367 masked %masked_sort3A_368 {descending = true} : (vector<16xf32>, vector<16xf32>, vector<16xi1>) -> (vector<16xi1>, vector<16xf32>, vector<16xf32>)
        %max3A_372 = arith.maximumf %parallel_loop3A_146#6, %masked_sort3A_370 : vector<16xf32>
        %masked_sort3A_373 = arith.constant dense<true> : vector<16xi1>
        %masked_sort3A_374, %masked_sort3A_375, %masked_sort3A_376 = tpu.sort %max3A_372, %max3A_372 masked %masked_sort3A_373 : (vector<16xf32>, vector<16xf32>, vector<16xi1>) -> (vector<16xi1>, vector<16xf32>, vector<16xf32>)
        %jit3A_377 = arith.constant 0.000000e+00 : f32
        %broadcast_in_dim3A_378 = vector.broadcast %jit3A_377 : f32 to vector<16xf32>
        %select_n3A_379 = arith.select %ge3A_5, %masked_sort3A_375, %broadcast_in_dim3A_378 : vector<16xi1>, vector<16xf32>
        %add3A_380 = arith.addf %add3A_346, %select_n3A_379 : vector<16xf32>
        %add3A_381 = arith.constant 496 : i32
        %add3A_382 = arith.addi %mul3A_135, %add3A_381 : i32
        %get3A_383 = arith.index_cast %add3A_382 : i32 to index
        %get3A_384 = tpu.vector_load %arg6[%get3A_383] {strides = array<i32>} : memref<32784xf32, #tpu.memory_space<vmem>>, vector<16xf32>,
        %add3A_385 = arith.constant 1 : i32
        %add3A_386 = arith.addi %add3A_382, %add3A_385 : i32
        %get3A_387 = arith.index_cast %add3A_386 : i32 to index
        %get3A_388 = tpu.vector_load %arg6[%get3A_387] {strides = array<i32>} : memref<32784xf32, #tpu.memory_space<vmem>>, vector<16xf32>,
        %add3A_389 = arith.constant 2 : i32
        %add3A_390 = arith.addi %add3A_382, %add3A_389 : i32
        %get3A_391 = arith.index_cast %add3A_390 : i32 to index
        %get3A_392 = tpu.vector_load %arg6[%get3A_391] {strides = array<i32>} : memref<32784xf32, #tpu.memory_space<vmem>>, vector<16xf32>,
        %add3A_393 = arith.constant 3 : i32
        %add3A_394 = arith.addi %add3A_382, %add3A_393 : i32
        %get3A_395 = arith.index_cast %add3A_394 : i32 to index
        %get3A_396 = tpu.vector_load %arg6[%get3A_395] {strides = array<i32>} : memref<32784xf32, #tpu.memory_space<vmem>>, vector<16xf32>,
        %add3A_397 = arith.addf %get3A_384, %get3A_388 : vector<16xf32>
        %add3A_398 = arith.addf %get3A_392, %get3A_396 : vector<16xf32>
        %add3A_399 = arith.addf %add3A_397, %add3A_398 : vector<16xf32>
        %broadcast_in_dim3A_400 = vector.broadcast %squeeze3A : f32 to vector<16xf32>
        %select_n3A_401 = arith.select %lt3A_7, %add3A_399, %broadcast_in_dim3A_400 : vector<16xi1>, vector<16xf32>
        %masked_sort3A_402 = arith.constant dense<true> : vector<16xi1>
        %masked_sort3A_403, %masked_sort3A_404, %masked_sort3A_405 = tpu.sort %select_n3A_401, %select_n3A_401 masked %masked_sort3A_402 {descending = true} : (vector<16xf32>, vector<16xf32>, vector<16xi1>) -> (vector<16xi1>, vector<16xf32>, vector<16xf32>)
        %max3A_406 = arith.maximumf %parallel_loop3A_146#7, %masked_sort3A_404 : vector<16xf32>
        %masked_sort3A_407 = arith.constant dense<true> : vector<16xi1>
        %masked_sort3A_408, %masked_sort3A_409, %masked_sort3A_410 = tpu.sort %max3A_406, %max3A_406 masked %masked_sort3A_407 : (vector<16xf32>, vector<16xf32>, vector<16xi1>) -> (vector<16xi1>, vector<16xf32>, vector<16xf32>)
        %jit3A_411 = arith.constant 0.000000e+00 : f32
        %broadcast_in_dim3A_412 = vector.broadcast %jit3A_411 : f32 to vector<16xf32>
        %select_n3A_413 = arith.select %ge3A_5, %masked_sort3A_409, %broadcast_in_dim3A_412 : vector<16xi1>, vector<16xf32>
        %add3A_414 = arith.addf %add3A_380, %select_n3A_413 : vector<16xf32>
        scf.yield %add3A_414 : vector<16xf32>
      }
      %scan3A_69 = arith.constant 8 : i32
      %add3A_70 = arith.constant 1 : i32
      %add3A_71 = arith.addi %scan3A_35, %add3A_70 : i32
      %lt3A_72 = arith.constant 32 : i32
      %lt3A_73 = arith.cmpi slt, %add3A_71, %lt3A_72 : i32
      %convert_element_type3A_74 = arith.extui %lt3A_73 : i1 to i32
      %cond3A_75 = arith.constant 0 : i32
      %cond3A_76 = arith.cmpi ne, %convert_element_type3A_74, %cond3A_75 : i32
      scf.if %cond3A_76 {
        %add3A_86 = arith.constant 1 : i32
        %add3A_87 = arith.addi %scan3A_35, %add3A_86 : i32
        %mul3A_88 = arith.constant 2 : i32
        %mul3A_89 = arith.muli %mul3A_88, %add3A_87 : i32
        %add3A_90 = arith.constant 1 : i32
        %add3A_91 = arith.addi %mul3A_89, %add3A_90 : i32
        %mul3A_92 = arith.constant 64 : i32
        %mul3A_93 = arith.muli %add3A_91, %mul3A_92 : i32
        %add3A_94 = arith.addi %mul3A_3, %mul3A_93 : i32
        %mul3A_95 = arith.constant 512 : i32
        %mul3A_96 = arith.muli %add3A_94, %mul3A_95 : i32
        %dma_start3A_97 = arith.constant 0 : i32
        %dma_start3A_98 = tpu.memref_slice %arg6[%dma_start3A_97] : memref<32784xf32, #tpu.memory_space<vmem>> -> memref<32768xf32, #tpu.memory_space<vmem>>
        %dma_start3A_99 = tpu.memref_slice %arg2[%mul3A_96] : memref<67108864xf32, #tpu.memory_space<hbm>> -> memref<32768xf32, #tpu.memory_space<hbm>>
        %dma_start3A_100 = arith.constant 0 : i32
        %dma_start3A_101 = tpu.memref_slice %arg6[%dma_start3A_100] : memref<32784xf32, #tpu.memory_space<vmem>> -> memref<32768xf32, #tpu.memory_space<vmem>>
        %dma_start3A_102 = tpu.memref_slice %arg2[%mul3A_96] : memref<67108864xf32, #tpu.memory_space<hbm>> -> memref<32768xf32, #tpu.memory_space<hbm>>
        tpu.enqueue_dma source(%dma_start3A_102 : memref<32768xf32, #tpu.memory_space<hbm>>) target(%dma_start3A_101 : memref<32768xf32, #tpu.memory_space<vmem>>) target_semaphore(%arg9 : memref<!tpu.dma_semaphore, #tpu.memory_space<semaphore_mem>>)
      } else {
      }
      %broadcast_in_dim3A_77 = arith.constant true
      %broadcast_in_dim3A_78 = vector.broadcast %broadcast_in_dim3A_77 : i1 to vector<16xi1>
      %masked_cumsum3A = tpu.scan <sum>, %scan3A_68 masked %broadcast_in_dim3A_78 : vector<16xf32>, vector<16xi1> -> vector<16xf32>
      %mul3A_79 = arith.constant 1.62760422E-4 : f32
      %mul3A_80 = vector.broadcast %mul3A_79 : f32 to vector<16xf32>
      %mul3A_81 = arith.mulf %masked_cumsum3A, %mul3A_80 : vector<16xf32>
      %broadcast_in_dim3A_82 = vector.broadcast %scan3A_35 : i32 to vector<16xi32>
      %eq3A = arith.constant 15 : i32
      %eq3A_83 = vector.broadcast %eq3A : i32 to vector<16xi32>
      %eq3A_84 = arith.cmpi eq, %iota3A, %eq3A_83 : vector<16xi32>
      tpu.vector_store_idx %arg7[%broadcast_in_dim3A_82], %mul3A_81 masked %eq3A_84 : memref<32xf32, #tpu.memory_space<vmem>>[vector<16xi32>], vector<16xf32>, vector<16xi1>
      %scan3A_85 = arith.constant 0 : i32
      scf.yield %scan3A_85 : i32
    }
    %scan3A_32 = arith.constant 32 : i32
    %mul3A_33 = arith.constant 32 : i32
    %mul3A_34 = arith.muli %add3A, %mul3A_33 : i32
    "tpu.region"() ({
      %run_scoped3A = tpu.sem_alloc : memref<!tpu.dma_semaphore, #tpu.memory_space<semaphore_mem>>
      %dma_start3A_35 = tpu.memref_slice %arg4[%mul3A_34] : memref<1024xf32, #tpu.memory_space<hbm>> -> memref<32xf32, #tpu.memory_space<hbm>>
      %dma_start3A_36 = tpu.memref_slice %arg4[%mul3A_34] : memref<1024xf32, #tpu.memory_space<hbm>> -> memref<32xf32, #tpu.memory_space<hbm>>
      tpu.enqueue_dma source(%arg7 : memref<32xf32, #tpu.memory_space<vmem>>) target(%dma_start3A_36 : memref<32xf32, #tpu.memory_space<hbm>>) target_semaphore(%run_scoped3A : memref<!tpu.dma_semaphore, #tpu.memory_space<semaphore_mem>>)
      %dma_wait3A = tpu.memref_slice %arg4[%mul3A_34] : memref<1024xf32, #tpu.memory_space<hbm>> -> memref<32xf32, #tpu.memory_space<hbm>>
      %dma_wait3A_37 = tpu.memref_slice %arg4[%mul3A_34] : memref<1024xf32, #tpu.memory_space<hbm>> -> memref<32xf32, #tpu.memory_space<hbm>>
      tpu.wait_dma2 semaphore(%run_scoped3A : memref<!tpu.dma_semaphore, #tpu.memory_space<semaphore_mem>>) src(%arg7 : memref<32xf32, #tpu.memory_space<vmem>>) dst(%dma_wait3A_37 : memref<32xf32, #tpu.memory_space<hbm>>)
      tpu.yield
    }) : () -> ()
    return
  }
}

</mosaic_0001>

<sc_bundles>
// kernel: kernel.3.cloned.1.call-start
scs
__scs_entry_jumppad:
0x0: {  	(pc) =	sbr.rel $0x88, $3  }
0x1: {  	(tag) =	ssettag $0x0;
	lr =	simm.s32 $0x1  }
0x2: {  	[smem:$0x3FA0] =	sst lr;
	_ =	strace $0xD0000000  }
0x3: {  	_ = 	snop  }
0x4: {  	_ = 	snop  }
0x5: {  	_ = 	snop  }
0x6: {  	_ = 	snop  }
0x7: {  	_ = 	snop  }
__scs_overlays_trampoline_lowered:
0x8: {  	[smem:$0x3FAF] =	sst s0  }
0x9: {  	[smem:$0x3FB0] =	sst s1  }
0xa: {  	[smem:$0x3FB1] =	sst s2  }
0xb: {  	[smem:$0x3FB2] =	sst s3  }
0xc: {  	[smem:$0x3FB3] =	sst s4  }
0xd: {  	[smem:$0x3FB4] =	sst s5  }
0xe: {  	[smem:$0x3FB5] =	sst s6  }
0xf: {  	[smem:$0x3FB6] =	sst s7  }
0x10: {  	[smem:$0x3FB7] =	sst s8  }
0x11: {  	[smem:$0x3FB8] =	sst s9;
	s0 =	simm.s32 @!p0 $0x0  }
0x12: {  	s1 =	sld [smem:$0x3F9E];
	s0 =	simm.s32 @p0 $0x1  }
0x13: {  	[smem:$0x3FB9] =	sst s0;
	s0 =	simm.s32 @!p1 $0x0  }
0x14: {  	s2 =	sld [smem:$0x3F9D];
	s0 =	simm.s32 @p1 $0x1  }
0x15: {  	[smem:$0x3FBA] =	sst s0;
	s0 =	simm.s32 @!p2 $0x0  }
0x16: {  	s3 =	sld [smem:$0x3FDB];
	s0 =	simm.s32 @p2 $0x1  }
0x17: {  	s4 =	simm.s32 $0x1BF5;
	[smem:$0x3FBC] =	sst s0  }
0x18: {  	s0 =	sld [smem:$0x3F9F];
	_ =	swait.ge [sflag:s4], $0x0  }
0x19: {  	s7 =	sld [smem:$0x3FA0]  }
0x1a: {  	s8 =	sadd.s32 $0xFFFFE003, lr  }
0x1b: {  	s9 =	sadd.s32 $0xFFFFFEF7, lr;
	s5 =	simm.s32 $0xFFFFFFFF;
	p2 =	slt.u32 s8, $0xFFFFF086  }
0x1c: {  	p1 =	slt.u32 s9, $0xF7A;
	s5 =	simm.s32 @!p2 $0x0  }
0x1d: {  	s5 =	simm.s32 @p1 $0x1;
	p0 =	seq.s32 s7, s2  }
0x1e: {  	s7 =	smul.u32 @!p0 $0xF7A, s2;
	p2 =	seq.s32 @!p0 s5, $0x0  }
0x1f: {  	s9 =	smul.u32 $0xF7A, s1;
	s8 =	simm.s32 @!p0 $0x1BF5;
	p2 =	por !p2, p0  }
0x20: {  	[sflag:s8] =	ssyncset.s32 @!p0 $0xFFFFF086;
	s6 =	sadd.s32 @!p0 s3, s7;
	s7 =	simm.s32 @!p0 $0x108  }
0x21: {  	s3 =	sadd.s32 s3, s9;
	s6 =	sadd.s32 @!p0 $0x88, s6;
	s7 =	simm.s32 @p2 $0x1082  }
0x22: {  	[simem:s7], [sflag:s8] =	dma.local @!p0 [hbm:s6], $0xF7A  }
0x23: {  	s9 =	sor.u32 $0xD0000000, s2;
	s6 =	simm.s32 $0x108;
	_ =	swait.ge @!p0 [sflag:s8], $0x0  }
0x24: {  	s3 =	sadd.s32 $0x88, s3;
	s6 =	simm.s32 @!p1 $0x1082;
	[sflag:s4] =	ssyncset.s32 $0xFFFFF086  }
0x25: {  	[simem:s6], [sflag:s4] =	dma.local [hbm:s3], $0xF7A  }
0x26: {  	[smem:$0x3FA0] =	sst s1;
	(tag) =	ssettag s2;
	_ =	strace s9  }
0x27: {  	s1 =	sld [smem:$0x3FB0]  }
0x28: {  	s2 =	sld [smem:$0x3FB1]  }
0x29: {  	s4 =	sld [smem:$0x3FB3]  }
0x2a: {  	p0 =	seq.s32 s5, $0x0;
	s5 =	sld [smem:$0x3FB4]  }
0x2b: {  	s6 =	sld [smem:$0x3FB5]  }
0x2c: {  	s7 =	sld [smem:$0x3FB6]  }
0x2d: {  	s3 =	simm.s32 $0x108;
	s8 =	sld [smem:$0x3FB7]  }
0x2e: {  	s3 =	simm.s32 @!p0 $0x1082;
	s9 =	sld [smem:$0x3FB8]  }
0x2f: {  	lr =	sadd.s32 s0, s3;
	s0 =	sld [smem:$0x3FAF]  }
0x30: {  	s3 =	sld [smem:$0x3FB2]  }
0x31: {  	[smem:$0x3FBB] =	sst s10  }
0x32: {  	s10 =	sld [smem:$0x3FB9];
	_ =	sdelay $0x3  }
0x33: {  	p0 =	seq.s32 s10, $0x1;
	s10 =	sld [smem:$0x3FBB];
	_ =	sdelay $0x3  }
0x34: {  	[smem:$0x3FBB] =	sst s10  }
0x35: {  	s10 =	sld [smem:$0x3FBA];
	_ =	sdelay $0x3  }
0x36: {  	p1 =	seq.s32 s10, $0x1;
	s10 =	sld [smem:$0x3FBB];
	_ =	sdelay $0x3  }
0x37: {  	[smem:$0x3FBB] =	sst s10  }
0x38: {  	s10 =	sld [smem:$0x3FBC]  }
0x39: {  	_ = 	snop;
	(pc) =	sbr.ind lr, $3  }
0x3a: {  	_ = 	snop  }
0x3b: {  	_ = 	snop  }
0x3c: {  	p2 =	seq.s32 s10, $0x1;
	s10 =	sld [smem:$0x3FBB]  }
0x3d: {  	_ =	shalt  }
0x3e: {  	_ =	shalt  }
0x3f: {  	_ =	shalt  }
0x40: {  	_ =	shalt  }
0x41: {  	_ =	shalt  }
0x42: {  	_ =	shalt  }
0x43: {  	_ =	shalt  }
0x44: {  	_ =	shalt  }
0x45: {  	_ =	shalt  }
0x46: {  	_ =	shalt  }
0x47: {  	_ =	shalt  }
0x48: {  	_ =	shalt  }
0x49: {  	_ =	shalt  }
0x4a: {  	_ =	shalt  }
0x4b: {  	_ =	shalt  }
0x4c: {  	_ =	shalt  }
0x4d: {  	_ =	shalt  }
0x4e: {  	_ =	shalt  }
0x4f: {  	_ =	shalt  }
0x50: {  	_ =	shalt  }
0x51: {  	_ =	shalt  }
0x52: {  	_ =	shalt  }
0x53: {  	_ =	shalt  }
0x54: {  	_ =	shalt  }
0x55: {  	_ =	shalt  }
0x56: {  	_ =	shalt  }
0x57: {  	_ =	shalt  }
0x58: {  	_ =	shalt  }
0x59: {  	_ =	shalt  }
0x5a: {  	_ =	shalt  }
0x5b: {  	_ =	shalt  }
0x5c: {  	_ =	shalt  }
0x5d: {  	_ =	shalt  }
0x5e: {  	_ =	shalt  }
0x5f: {  	_ =	shalt  }
0x60: {  	_ =	shalt  }
0x61: {  	_ =	shalt  }
0x62: {  	_ =	shalt  }
0x63: {  	_ =	shalt  }
0x64: {  	_ =	shalt  }
0x65: {  	_ =	shalt  }
0x66: {  	_ =	shalt  }
0x67: {  	_ =	shalt  }
0x68: {  	_ =	shalt  }
0x69: {  	_ =	shalt  }
0x6a: {  	_ =	shalt  }
0x6b: {  	_ =	shalt  }
0x6c: {  	_ =	shalt  }
0x6d: {  	_ =	shalt  }
0x6e: {  	_ =	shalt  }
0x6f: {  	_ =	shalt  }
0x70: {  	_ =	shalt  }
0x71: {  	_ =	shalt  }
0x72: {  	_ =	shalt  }
0x73: {  	_ =	shalt  }
0x74: {  	_ =	shalt  }
0x75: {  	_ =	shalt  }
0x76: {  	_ =	shalt  }
0x77: {  	_ =	shalt  }
0x78: {  	_ =	shalt  }
0x79: {  	_ =	shalt  }
0x7a: {  	_ =	shalt  }
0x7b: {  	_ =	shalt  }
0x7c: {  	_ =	shalt  }
0x7d: {  	_ =	shalt  }
0x7e: {  	_ =	shalt  }
0x7f: {  	_ =	shalt  }
0x80: {  	_ =	shalt  }
0x81: {  	_ =	shalt  }
0x82: {  	_ =	shalt  }
0x83: {  	_ =	shalt  }
0x84: {  	_ =	shalt  }
0x85: {  	_ =	shalt  }
0x86: {  	_ =	shalt  }
0x87: {  	_ =	shalt  }
.Lfunc_end0:
.L_simem_size_0:
called_computation.1_lowered:
.L_overlay_start_0:
0x88: {  	s2 =	sld [smem:$0x3FD9]  }
0x89: {  	s3 =	sld [smem:$0x3FFE];
	_ =	sdelay $0x1  }
0x8a: {  	s1 =	srdreg.scid  }
0x8b: {  	s0 =	sand.u32 $0x1, s1  }
0x8c: {  	s17 =	sshll.u32 s0, $0xA;
	s2 =	sadd.s32 s3, s2  }
0x8d: {  	s2 =	sadd.s32 s2, s17  }
0x8e: {  	[smem:$0x3FC7] =	sst s2  }
0x8f: {  	_ = 	snop  }
0x90: {  	s2 =	sld [smem:$0x3FD0];
	(tm) =	ssettm $0x1  }
0x91: {  	s18 =	sld [smem:$0x3FFB];
	_ =	sdelay $0x3  }
0x92: {  	_ =	strace s18  }
0x93: {  	s3 =	sld [smem:$0x3FFC];
	_ =	sdelay $0x3  }
0x94: {  	_ =	strace s3  }
0x95: {  	s3 =	sld [smem:$0x3FFD];
	_ =	sdelay $0x3  }
0x96: {  	_ =	strace s3  }
0x97: {  	_ =	strace $0x8FFFFFFF  }
0x98: {  	s19 =	sld [smem:$0x3FDB];
	_ =	sdelay $0x1  }
0x99: {  	s4 =	simm.s32 $_scs_section_size  }
0x9a: {  	s5 =	simm.s32 $_size__tile_overlayer_lowered;
	s6 =	simm.s32 $_tile_overlayer_lowered  }
0x9b: {  	s22 =	simm.s32 $0x1BFF;
	s21 =	sshll.u32 s6, $0x1;
	s3 =	sadd.s32 s4, s19  }
0x9c: {  	s7 =	simm.s32 $0x0;
	s20 =	sshll.u32 s5, $0x1;
	s5 =	sadd.s32 s21, s3  }
0x9d: {  	[timem:s7], [sflag:s22] =	dma.local [hbm:s5], s20  }
0x9e: {  	_ =	swait.ge [sflag:s22], s20  }
0x9f: {  	s4 =	ssub.s32 $0x0, s20;
	[sflag:s22] =	ssyncset.done $0x0  }
0xa0: {  	[sflag:s22] =	ssyncadd.s32 s4;
	_ =	sdelay $0x1  }
0xa1: {  	s23 =	simm.s32 $0x1B8B  }
0xa2: {  	_ =	swait.ge [sflag:s23], $0x1  }
0xa3: {  	[sflag:s23] =	ssyncset.done $0x0  }
0xa4: {  	s25 =	simm.s32 $0x1B8E;
	s24 =	sld [smem:$0x3FFE];
	[sflag:s23] =	ssyncadd.s32 $0xFFFFFFFF  }
0xa5: {  	s26 =	simm.s32 $execute0_lowered;
	[smem:$0x3FD2] =	sst s25  }
0xa6: {  	s5 =	sshll.u32 s26, $0x1;
	_ =	strace $0x80000049;
	[dreg:$0x1] =	wrdreg $0xFFFFFFFF  }
0xa7: {  	s28 =	simm.s32 $_size_execute0_lowered;
	s3 =	sadd.s32 s3, s5;
	[dreg:$0x0] =	wrdreg $0x0  }
0xa8: {  	s5 =	sshll.u32 s28, $0x1;
	[dreg:$0x2] =	wrdreg s3  }
0xa9: {  	[dreg:$0x3] =	wrdreg s5  }
0xaa: {  	[dreg:$0x4] =	wrdreg $0xC0  }
0xab: {  	_ =	task [dreg:s7], $0x5FFFF  }
0xac: {  	[dreg:$0x1] =	wrdreg $0xFFFFFFFF  }
0xad: {  	[dreg:$0x0] =	wrdreg $0x60  }
0xae: {  	[dreg:$0x2] =	wrdreg s24  }
0xaf: {  	[dreg:$0x3] =	wrdreg s2  }
0xb0: {  	[dreg:$0x4] =	wrdreg $0x9  }
0xb1: {  	_ =	task.clear_ibuf [dreg:s7], $0x5FFFF;
	_ =	strace $0x90000049  }
0xb2: {  	s29 =	simm.s32 $0x9;
	_ =	strace $0x8000004B  }
0xb3: {  	_ =	swait.ge [sflag:s29], $0x1  }
0xb4: {  	[sflag:s29] =	ssyncadd.s32 $0xFFFFFFFF  }
0xb5: {  	_ =	strace $0x9000004B  }
0xb6: {  	_ =	sfence  }
0xb7: {  	s30 =	sld [smem:$0x0];
	_ =	sdelay $0x2  }
0xb8: {  	s31 =	sshll.u32 s1, $0xD;
	s1 =	sshrl.u32 s1, $0x2  }
0xb9: {  	s3 =	sand.u32 $0x4000, s31;
	s1 =	sadd.s32 s1, s30  }
0xba: {  	s0 =	sor.u32 s3, s0;
	s1 =	sshll.u32 s1, $0x11  }
0xbb: {  	s0 =	sor.u32 s1, s0  }
0xbc: {  	s0 =	sadd.s32 $0x8F2B, s0  }
0xbd: {  	[sflag:s0] =	ssyncadd.remote.s32 $0x1  }
0xbe: {  	_ =	sfence.sel $0xFFFF  }
0xbf: {  	[dreg:$0x0] =	wrdreg $0xFFFFFFFF;
	(pc) =	sbr.abs _section_cstart, $3  }
0xc0: {  	[dreg:$0x1] =	wrdreg $0xFFFFFFFF  }
0xc1: {  	_ =	task.clear_ibuf [dreg:s7], $0x2FFFF;
	_ =	strace $0x9FFFFFFF  }
0xc2: {  	(tm) =	ssettm $0x7FFFFFFF  }
0xc3: {  	_ =	shalt  }
tec
execute0_lowered:
.L_overlay_start_1:
0x0: {  	(tag) =	ssettag $0x1  }
0x1: {  	s4 =	rddreg [dreg:$0x0]  }
0x2: {  	s2 =	rddreg [dreg:$0x1]  }
0x3: {  	s0 =	rddreg [dreg:$0x2];
	s3 =	simm.s32 $0x0;
	s5 =	srdreg.scid  }
0x4: {  	s1 =	stileid.u32;
	s9 =	simm.s32 $0x3;
	s10 =	simm.s32 $0x8080  }
0x5: {  	s11 =	simm.s32 $0x1;
	s12 =	simm.s32 $0x2;
	s13 =	simm.s32 $0x10100  }
0x6: {  	[smem:$0x7FF] =	sst s3;
	s5 =	sand.u32 $0x1, s5;
	s6 =	sshll.u32 s1, $0x1  }
0x7: {  	s14 =	simm.s32 $0x0;
	_ =	strace $0x8000004A;
	s6 =	sor.u32 s5, s6  }
0x8: {  	s5 =	ssub.s32 $0x2, s5;
	s7 =	sshll.u32 s6, $0x12;
	s6 =	sshll.u32 s6, $0x2  }
0x9: {  	s31 =	sshrl.u32 s5, $0x1;
	s7 =	sadd.s32 s7, s4;
	s6 =	sadd.s32 s6, s4  }
0xa: {  	s8 =	ssub.s32 s5, s31;
	s4 =	sadd.s32 $0x800, s7;
	s5 =	sadd.s32 $0x1800, s7  }
0xb: {  	vm0 =	vmmov $0x1fff;
	vm1 =	vmmov $0xf;
	vm2 =	vcmask $0x3F3C;
	s6 =	sadd.s32 $0x800800, s6;
	s7 =	smax.u32 s8, $0x1;
	s8 =	simm.s32 $0x10180  }
.LBB2_1:
0xc: {  	[tilespmem:s8], [sflag:$0x3] =	stream.linear.gather [hbm4b:s2+s3], $0x1, $0x38;
	[tilespmem:$0x10200] =	vst v63  }
0xd: {  	_ =	swait.ge [sflag:s9], $0x1  }
0xe: {  	[sflag:s9] =	ssyncset.done $0x0  }
0xf: {  	[sflag:s9] =	ssyncadd.s32 $0xFFFFFFFF  }
0x10: {  	v0 =	vld.msk [tilespmem:$0x10180 ss:$0x0], $0xffff;
	[tilespmem:s3], [sflag:$0x1] =	stream.linear.gather [hbm4b:s4+s3], $0x8000, $0x38  }
0x11: {  	s15 =	simm.s32 $0x0  }
0x12: {  	[tilespmem:s10], [sflag:$0x2] =	stream.linear.gather [hbm4b:s5+s3], $0x8000, $0x38;
	[tilespmem:$0x10200] =	vst v63  }
.LBB2_2:
0x13: {  	_ =	swait.ge [sflag:s11], $0x8000  }
0x14: {  	[sflag:s11] =	ssyncset.done $0x0  }
0x15: {  	s16 =	simm.s32 $0x0;
	v1 =	vimm.f32 $0.0e+00;
	[sflag:s11] =	ssyncadd.s32 $0xFFFF8000  }
.LBB2_3:
0x16: {  	s17 =	sshll.u32 s16, $0xE;
	s18 =	simm.s32 $0x0  }
0x17: {  	s17 =	sshra.s32 s17, $0x2;
	s19 =	sand.u32 $0x180, s18  }
0x18: {  	s18 =	sand.u32 $0x70, s18;
	s19 =	sadd.s32 s19, s17  }
0x19: {  	s20 =	sadd.s32 s18, s19  }
0x1a: {  	v2 =	vld [tilespmem:s20+$0xE00]  }
0x1b: {  	v4 =	vld [tilespmem:s20+$0x0]  }
0x1c: {  	v6 =	vld [tilespmem:s20+$0x200]  }
0x1d: {  	v7 =	vld [tilespmem:s20+$0x400]  }
0x1e: {  	s19 =	simm.s32 $0x10;
	v8 =	vld [tilespmem:s20+$0x600]  }
0x1f: {  	s31 =	sand.u32 $0x180, s19;
	v10 =	vld [tilespmem:s20+$0x800]  }
0x20: {  	s21 =	sand.u32 $0x70, s19;
	v15 =	vld [tilespmem:s20+$0xA00];
	s18 =	sadd.s32 s31, s17  }
0x21: {  	v5 =	vld [tilespmem:s20+$0xC00];
	s18 =	sadd.s32 s21, s18  }
0x22: {  	v3 =	vld [tilespmem:s18+$0xE00]  }
0x23: {  	v14 =	vld [tilespmem:s18+$0x0];
	v2 =	vmax.f32 v0, v2  }
0x24: {  	v12 =	vld [tilespmem:s18+$0x200];
	v13 =	vmax.f32 v0, v4;
	v11 =	vmax.f32 v0, v6;
	v9 =	vmax.f32 v0, v7  }
0x25: {  	v8 =	vmax.f32 v0, v8;
	v7 =	vmax.f32 v0, v10;
	v10 =	vld [tilespmem:s18+$0x400];
	v6 =	vmax.f32 v0, v15;
	v4 =	vmovc v0  }
.LBB2_4:
0x26: {  	s19 =	sadd.s32 $0x10, s19;
	v15 =	vld [tilespmem:s18+$0x600];
	v4 =	vmax.f32 v4, v5  }
0x27: {  	s20 =	sand.u32 $0x180, s19;
	p0 =	slt.u32 s19, $0x1E0;
	v16 =	vld [tilespmem:s18+$0x800];
	v2 =	vmax.f32 v2, v3  }
0x28: {  	s21 =	sand.u32 $0x70, s19;
	s20 =	sadd.s32 s20, s17;
	v13 =	vmax.f32 v13, v14;
	v17 =	vld [tilespmem:s18+$0xA00]  }
.Ltmp0:
0x29: {  	v11 =	vmax.f32 v11, v12;
	v5 =	vld [tilespmem:s18+$0xC00];
	s18 =	sadd.s32 s21, s20;
	(pc) =	sbr.rel @p0 .LBB2_4-.Ltmp0, $4  }
0x2a: {  	v3 =	vld [tilespmem:s18+$0xE00];
	v9 =	vmax.f32 v9, v10  }
0x2b: {  	v14 =	vld [tilespmem:s18+$0x0];
	v8 =	vmax.f32 v8, v15  }
0x2c: {  	v12 =	vld [tilespmem:s18+$0x200];
	v7 =	vmax.f32 v7, v16  }
0x2d: {  	v10 =	vld [tilespmem:s18+$0x400];
	v6 =	vmax.f32 v6, v17  }
0x2e: {  	v15 =	vld [tilespmem:s17+$0x1F0]  }
0x2f: {  	v16 =	vld [tilespmem:s17+$0x1F1]  }
0x30: {  	v17 =	vld [tilespmem:s17+$0x1F2]  }
0x31: {  	v18 =	vld [tilespmem:s17+$0x1F3];
	_ =	sdelay $0x4  }
0x32: {  	v15 =	vadd.f32 v16, v15;
	v51 =	vadd.f32 v18, v17;
	_ =	sdelay $0x1  }
0x33: {  	v15 =	vadd.f32 v51, v15;
	_ =	sdelay $0x1  }
0x34: {  	v15 =	vsel vm0, v15, v0  }
0x35: {  	(xrf1) =	vsort.dscd.msk.f32 $0xffff, v15, v15;
	_ =	sdelay $0x3  }
0x36: {  	v52 =	vld [tilespmem:s17+$0x3F0]  }
0x37: {  	v53 =	vld [tilespmem:s17+$0x3F1]  }
0x38: {  	v54 =	vld [tilespmem:s17+$0x3F2]  }
0x39: {  	v55 =	vld [tilespmem:s17+$0x3F3];
	_ =	sdelay $0x4  }
0x3a: {  	v56 =	vadd.f32 v55, v54;
	v15 =	vadd.f32 v53, v52;
	_ =	sdelay $0x1  }
0x3b: {  	v13 =	vmax.f32 v13, v14;
	v15 =	vadd.f32 v56, v15;
	v57, _, _ =	vpop (xrf1)  }
0x3c: {  	v13 =	vmax.f32 v13, v57  }
0x3d: {  	v58 =	vsel vm0, v15, v0;
	(xrf1) =	vsort.ascd.msk.f32 $0xffff, v13, v13  }
0x3e: {  	(xrf1) =	vsort.dscd.msk.f32 $0xffff, v58, v58;
	_ =	sdelay $0x3  }
0x3f: {  	v59 =	vld [tilespmem:s17+$0x5F0]  }
0x40: {  	v60 =	vld [tilespmem:s17+$0x5F1]  }
0x41: {  	v61 =	vld [tilespmem:s17+$0x5F2]  }
0x42: {  	v62 =	vld [tilespmem:s17+$0x5F3];
	_ =	sdelay $0x4  }
0x43: {  	v63 =	vadd.f32 v62, v61;
	v13 =	vadd.f32 v60, v59  }
0x44: {  	v15, _, _ =	vpop (xrf1)  }
0x45: {  	v11 =	vmax.f32 v11, v12;
	v13 =	vadd.f32 v63, v13;
	v17, _, _ =	vpop (xrf1)  }
0x46: {  	v11 =	vmax.f32 v11, v17  }
0x47: {  	v18 =	vsel vm0, v13, v0;
	(xrf1) =	vsort.ascd.msk.f32 $0xffff, v11, v11  }
0x48: {  	(xrf1) =	vsort.dscd.msk.f32 $0xffff, v18, v18;
	_ =	sdelay $0x3  }
0x49: {  	v19 =	vld [tilespmem:s17+$0x7F0]  }
0x4a: {  	v20 =	vld [tilespmem:s17+$0x7F1]  }
0x4b: {  	v21 =	vld [tilespmem:s17+$0x7F2]  }
0x4c: {  	v22 =	vld [tilespmem:s17+$0x7F3];
	_ =	sdelay $0x4  }
0x4d: {  	v23 =	vadd.f32 v22, v21;
	v11 =	vadd.f32 v20, v19  }
0x4e: {  	v24, _, _ =	vpop (xrf1)  }
0x4f: {  	v9 =	vmax.f32 v9, v10;
	v11 =	vadd.f32 v23, v11;
	v25, _, _ =	vpop (xrf1)  }
0x50: {  	v9 =	vmax.f32 v9, v25  }
0x51: {  	v26 =	vsel vm0, v11, v0;
	(xrf1) =	vsort.ascd.msk.f32 $0xffff, v9, v9  }
0x52: {  	(xrf1) =	vsort.dscd.msk.f32 $0xffff, v26, v26;
	_ =	sdelay $0x3  }
0x53: {  	v27 =	vld [tilespmem:s17+$0x9F0]  }
0x54: {  	v28 =	vld [tilespmem:s17+$0x9F1]  }
0x55: {  	v29 =	vld [tilespmem:s17+$0x9F2]  }
0x56: {  	v30 =	vld [tilespmem:s17+$0x9F3];
	_ =	sdelay $0x1  }
0x57: {  	v31 =	vld [tilespmem:s18+$0x600];
	_ =	sdelay $0x2  }
0x58: {  	v32 =	vadd.f32 v30, v29;
	v9 =	vadd.f32 v28, v27  }
0x59: {  	v33, _, _ =	vpop (xrf1)  }
0x5a: {  	v8 =	vmax.f32 v8, v31;
	v9 =	vadd.f32 v32, v9;
	v34, _, _ =	vpop (xrf1)  }
0x5b: {  	v8 =	vmax.f32 v8, v34  }
0x5c: {  	v35 =	vsel vm0, v9, v0;
	(xrf1) =	vsort.ascd.msk.f32 $0xffff, v8, v8  }
0x5d: {  	(xrf1) =	vsort.dscd.msk.f32 $0xffff, v35, v35;
	_ =	sdelay $0x3  }
0x5e: {  	v36 =	vld [tilespmem:s17+$0xBF0]  }
0x5f: {  	v37 =	vld [tilespmem:s17+$0xBF1]  }
0x60: {  	v38 =	vld [tilespmem:s17+$0xBF2]  }
0x61: {  	v39 =	vld [tilespmem:s17+$0xBF3];
	_ =	sdelay $0x1  }
0x62: {  	v40 =	vld [tilespmem:s18+$0x800];
	_ =	sdelay $0x2  }
0x63: {  	v41 =	vadd.f32 v39, v38;
	v8 =	vadd.f32 v37, v36  }
0x64: {  	v42, _, _ =	vpop (xrf1)  }
0x65: {  	v7 =	vmax.f32 v7, v40;
	v8 =	vadd.f32 v41, v8;
	v43, _, _ =	vpop (xrf1)  }
0x66: {  	v7 =	vmax.f32 v7, v43  }
0x67: {  	v44 =	vsel vm0, v8, v0;
	(xrf1) =	vsort.ascd.msk.f32 $0xffff, v7, v7  }
0x68: {  	(xrf1) =	vsort.dscd.msk.f32 $0xffff, v44, v44;
	_ =	sdelay $0x3  }
0x69: {  	v45 =	vld [tilespmem:s17+$0xDF0]  }
0x6a: {  	v46 =	vld [tilespmem:s17+$0xDF1]  }
0x6b: {  	v47 =	vld [tilespmem:s17+$0xDF2]  }
0x6c: {  	v48 =	vld [tilespmem:s17+$0xDF3];
	_ =	sdelay $0x1  }
0x6d: {  	v49 =	vld [tilespmem:s18+$0xA00];
	_ =	sdelay $0x2  }
0x6e: {  	v50 =	vadd.f32 v48, v47;
	v7 =	vadd.f32 v46, v45  }
0x6f: {  	v51, _, _ =	vpop (xrf1)  }
0x70: {  	v6 =	vmax.f32 v6, v49;
	v7 =	vadd.f32 v50, v7;
	v52, _, _ =	vpop (xrf1)  }
0x71: {  	v6 =	vmax.f32 v6, v52  }
0x72: {  	v53 =	vsel vm0, v7, v0;
	(xrf1) =	vsort.ascd.msk.f32 $0xffff, v6, v6  }
0x73: {  	(xrf1) =	vsort.dscd.msk.f32 $0xffff, v53, v53;
	_ =	sdelay $0x3  }
0x74: {  	v54 =	vld [tilespmem:s17+$0xFF0]  }
0x75: {  	v55 =	vld [tilespmem:s17+$0xFF1]  }
0x76: {  	v56 =	vld [tilespmem:s17+$0xFF2]  }
0x77: {  	v57 =	vld [tilespmem:s17+$0xFF3];
	_ =	sdelay $0x1  }
0x78: {  	v58 =	vld [tilespmem:s18+$0xC00];
	_ =	sdelay $0x2  }
0x79: {  	v59 =	vadd.f32 v57, v56;
	v6 =	vadd.f32 v55, v54  }
0x7a: {  	v4 =	vmax.f32 v4, v5;
	v60, _, _ =	vpop (xrf1)  }
0x7b: {  	v4 =	vmax.f32 v4, v58;
	v6 =	vadd.f32 v59, v6;
	v61, _, _ =	vpop (xrf1)  }
0x7c: {  	v4 =	vmax.f32 v4, v61  }
0x7d: {  	v62 =	vsel vm0, v6, v0;
	(xrf1) =	vsort.ascd.msk.f32 $0xffff, v4, v4  }
0x7e: {  	(xrf1) =	vsort.dscd.msk.f32 $0xffff, v62, v62;
	_ =	sdelay $0xc  }
0x7f: {  	v63, _, _ =	vpop (xrf1)  }
0x80: {  	v2 =	vmax.f32 v2, v3;
	v3, _, _ =	vpop (xrf1)  }
0x81: {  	v2 =	vmax.f32 v2, v3  }
0x82: {  	(xrf1) =	vsort.ascd.msk.f32 $0xffff, v2, v2;
	v2 =	vsel vm1, $0x0, v15  }
0x83: {  	v1 =	vadd.f32 v2, v1  }
0x84: {  	v2 =	vsel vm1, $0x0, v24  }
0x85: {  	v1 =	vadd.f32 v2, v1  }
0x86: {  	v2 =	vsel vm1, $0x0, v33  }
0x87: {  	v1 =	vadd.f32 v2, v1  }
0x88: {  	v2 =	vsel vm1, $0x0, v42  }
0x89: {  	v1 =	vadd.f32 v2, v1  }
0x8a: {  	v2 =	vsel vm1, $0x0, v51  }
0x8b: {  	v1 =	vadd.f32 v2, v1  }
0x8c: {  	s16 =	sadd.s32 $0x1, s16;
	v2 =	vsel vm1, $0x0, v60  }
0x8d: {  	p0 =	sne.s32 s16, $0x8;
	v1 =	vadd.f32 v2, v1;
	v2 =	vsel vm1, $0x0, v63  }
.Ltmp1:
0x8e: {  	_ = 	snop;
	(pc) =	sbr.rel @p0 .LBB2_3-.Ltmp1, $4  }
0x8f: {  	_ = 	snop  }
0x90: {  	v1 =	vadd.f32 v2, v1;
	v2, _, _ =	vpop (xrf1)  }
0x91: {  	v2 =	vsel vm1, $0x0, v2  }
0x92: {  	v1 =	vadd.f32 v2, v1  }
0x93: {  	s16 =	sadd.s32 $0x1, s15;
	p0 =	seq.s32 s15, $0x1F  }
0x94: {  	s17 =	sshll.u32 @!p0 s16, $0xD  }
0x95: {  	s19 =	simm.s32 @!p0 $0x0;
	s18 =	sadd.s32 @!p0 s17, s4  }
0x96: {  	[tilespmem:s19], [sflag:$0x1] =	stream.linear.gather @!p0 [hbm4b:s18+s19], $0x8000, $0x38;
	[tilespmem:$0x10200] =	vst v63  }
0x97: {  	_ =	swait.ge [sflag:s12], $0x8000  }
0x98: {  	[sflag:s12] =	ssyncset.done $0x0  }
0x99: {  	s18 =	simm.s32 $0x0;
	[sflag:s12] =	ssyncadd.s32 $0xFFFF8000  }
.LBB2_7:
0x9a: {  	s19 =	sshll.u32 s18, $0xE  }
0x9b: {  	s20 =	simm.s32 $0x0;
	s19 =	sshra.s32 s19, $0x2  }
0x9c: {  	s22 =	sand.u32 $0x180, s20;
	s21 =	sadd.s32 $0x8080, s19  }
0x9d: {  	s20 =	sand.u32 $0x70, s20;
	s22 =	sadd.s32 s22, s21  }
0x9e: {  	s23 =	sadd.s32 s20, s22  }
0x9f: {  	v2 =	vld [tilespmem:s23+$0xE00]  }
0xa0: {  	v4 =	vld [tilespmem:s23+$0x0]  }
0xa1: {  	v6 =	vld [tilespmem:s23+$0x200]  }
0xa2: {  	v7 =	vld [tilespmem:s23+$0x400]  }
0xa3: {  	s22 =	simm.s32 $0x10;
	v8 =	vld [tilespmem:s23+$0x600]  }
0xa4: {  	s31 =	sand.u32 $0x180, s22;
	v10 =	vld [tilespmem:s23+$0x800]  }
0xa5: {  	s24 =	sand.u32 $0x70, s22;
	v15 =	vld [tilespmem:s23+$0xA00];
	s20 =	sadd.s32 s31, s21  }
0xa6: {  	v5 =	vld [tilespmem:s23+$0xC00];
	s20 =	sadd.s32 s24, s20  }
0xa7: {  	v3 =	vld [tilespmem:s20+$0xE00]  }
0xa8: {  	v14 =	vld [tilespmem:s20+$0x0];
	v2 =	vmax.f32 v0, v2  }
0xa9: {  	v12 =	vld [tilespmem:s20+$0x200];
	v13 =	vmax.f32 v0, v4;
	v11 =	vmax.f32 v0, v6;
	v9 =	vmax.f32 v0, v7  }
0xaa: {  	v8 =	vmax.f32 v0, v8;
	v7 =	vmax.f32 v0, v10;
	v10 =	vld [tilespmem:s20+$0x400];
	v6 =	vmax.f32 v0, v15;
	v4 =	vmovc v0  }
.LBB2_8:
0xab: {  	s22 =	sadd.s32 $0x10, s22;
	v15 =	vld [tilespmem:s20+$0x600];
	v4 =	vmax.f32 v4, v5  }
0xac: {  	s23 =	sand.u32 $0x180, s22;
	p1 =	slt.u32 s22, $0x1E0;
	v16 =	vld [tilespmem:s20+$0x800];
	v2 =	vmax.f32 v2, v3  }
0xad: {  	s24 =	sand.u32 $0x70, s22;
	s23 =	sadd.s32 s23, s21;
	v13 =	vmax.f32 v13, v14;
	v17 =	vld [tilespmem:s20+$0xA00]  }
.Ltmp2:
0xae: {  	v11 =	vmax.f32 v11, v12;
	v5 =	vld [tilespmem:s20+$0xC00];
	s20 =	sadd.s32 s24, s23;
	(pc) =	sbr.rel @p1 .LBB2_8-.Ltmp2, $4  }
0xaf: {  	v3 =	vld [tilespmem:s20+$0xE00];
	v9 =	vmax.f32 v9, v10  }
0xb0: {  	v14 =	vld [tilespmem:s20+$0x0];
	v8 =	vmax.f32 v8, v15  }
0xb1: {  	v12 =	vld [tilespmem:s20+$0x200];
	v7 =	vmax.f32 v7, v16  }
0xb2: {  	v10 =	vld [tilespmem:s20+$0x400];
	v6 =	vmax.f32 v6, v17  }
0xb3: {  	v15 =	vld [tilespmem:s19+$0x8270]  }
0xb4: {  	v16 =	vld [tilespmem:s19+$0x8271]  }
0xb5: {  	v17 =	vld [tilespmem:s19+$0x8272]  }
0xb6: {  	v18 =	vld [tilespmem:s19+$0x8273];
	_ =	sdelay $0x4  }
0xb7: {  	v15 =	vadd.f32 v16, v15;
	v51 =	vadd.f32 v18, v17;
	_ =	sdelay $0x1  }
0xb8: {  	v15 =	vadd.f32 v51, v15;
	_ =	sdelay $0x1  }
0xb9: {  	v15 =	vsel vm0, v15, v0  }
0xba: {  	(xrf1) =	vsort.dscd.msk.f32 $0xffff, v15, v15;
	_ =	sdelay $0x3  }
0xbb: {  	v52 =	vld [tilespmem:s19+$0x8470]  }
0xbc: {  	v53 =	vld [tilespmem:s19+$0x8471]  }
0xbd: {  	v54 =	vld [tilespmem:s19+$0x8472]  }
0xbe: {  	v55 =	vld [tilespmem:s19+$0x8473];
	_ =	sdelay $0x4  }
0xbf: {  	v56 =	vadd.f32 v55, v54;
	v15 =	vadd.f32 v53, v52;
	_ =	sdelay $0x1  }
0xc0: {  	v13 =	vmax.f32 v13, v14;
	v15 =	vadd.f32 v56, v15;
	v57, _, _ =	vpop (xrf1)  }
0xc1: {  	v13 =	vmax.f32 v13, v57  }
0xc2: {  	v58 =	vsel vm0, v15, v0;
	(xrf1) =	vsort.ascd.msk.f32 $0xffff, v13, v13  }
0xc3: {  	(xrf1) =	vsort.dscd.msk.f32 $0xffff, v58, v58;
	_ =	sdelay $0x3  }
0xc4: {  	v59 =	vld [tilespmem:s19+$0x8670]  }
0xc5: {  	v60 =	vld [tilespmem:s19+$0x8671]  }
0xc6: {  	v61 =	vld [tilespmem:s19+$0x8672]  }
0xc7: {  	v62 =	vld [tilespmem:s19+$0x8673];
	_ =	sdelay $0x4  }
0xc8: {  	v63 =	vadd.f32 v62, v61;
	v13 =	vadd.f32 v60, v59  }
0xc9: {  	v15, _, _ =	vpop (xrf1)  }
0xca: {  	v11 =	vmax.f32 v11, v12;
	v13 =	vadd.f32 v63, v13;
	v17, _, _ =	vpop (xrf1)  }
0xcb: {  	v11 =	vmax.f32 v11, v17  }
0xcc: {  	v18 =	vsel vm0, v13, v0;
	(xrf1) =	vsort.ascd.msk.f32 $0xffff, v11, v11  }
0xcd: {  	(xrf1) =	vsort.dscd.msk.f32 $0xffff, v18, v18;
	_ =	sdelay $0x3  }
0xce: {  	v19 =	vld [tilespmem:s19+$0x8870]  }
0xcf: {  	v20 =	vld [tilespmem:s19+$0x8871]  }
0xd0: {  	v21 =	vld [tilespmem:s19+$0x8872]  }
0xd1: {  	v22 =	vld [tilespmem:s19+$0x8873];
	_ =	sdelay $0x4  }
0xd2: {  	v23 =	vadd.f32 v22, v21;
	v11 =	vadd.f32 v20, v19  }
0xd3: {  	v24, _, _ =	vpop (xrf1)  }
0xd4: {  	v9 =	vmax.f32 v9, v10;
	v11 =	vadd.f32 v23, v11;
	v25, _, _ =	vpop (xrf1)  }
0xd5: {  	v9 =	vmax.f32 v9, v25  }
0xd6: {  	v26 =	vsel vm0, v11, v0;
	(xrf1) =	vsort.ascd.msk.f32 $0xffff, v9, v9  }
0xd7: {  	(xrf1) =	vsort.dscd.msk.f32 $0xffff, v26, v26;
	_ =	sdelay $0x3  }
0xd8: {  	v27 =	vld [tilespmem:s19+$0x8A70]  }
0xd9: {  	v28 =	vld [tilespmem:s19+$0x8A71]  }
0xda: {  	v29 =	vld [tilespmem:s19+$0x8A72]  }
0xdb: {  	v30 =	vld [tilespmem:s19+$0x8A73];
	_ =	sdelay $0x1  }
0xdc: {  	v31 =	vld [tilespmem:s20+$0x600];
	_ =	sdelay $0x2  }
0xdd: {  	v32 =	vadd.f32 v30, v29;
	v9 =	vadd.f32 v28, v27  }
0xde: {  	v33, _, _ =	vpop (xrf1)  }
0xdf: {  	v8 =	vmax.f32 v8, v31;
	v9 =	vadd.f32 v32, v9;
	v34, _, _ =	vpop (xrf1)  }
0xe0: {  	v8 =	vmax.f32 v8, v34  }
0xe1: {  	v35 =	vsel vm0, v9, v0;
	(xrf1) =	vsort.ascd.msk.f32 $0xffff, v8, v8  }
0xe2: {  	(xrf1) =	vsort.dscd.msk.f32 $0xffff, v35, v35;
	_ =	sdelay $0x3  }
0xe3: {  	v36 =	vld [tilespmem:s19+$0x8C70]  }
0xe4: {  	v37 =	vld [tilespmem:s19+$0x8C71]  }
0xe5: {  	v38 =	vld [tilespmem:s19+$0x8C72]  }
0xe6: {  	v39 =	vld [tilespmem:s19+$0x8C73];
	_ =	sdelay $0x1  }
0xe7: {  	v40 =	vld [tilespmem:s20+$0x800];
	_ =	sdelay $0x2  }
0xe8: {  	v41 =	vadd.f32 v39, v38;
	v8 =	vadd.f32 v37, v36  }
0xe9: {  	v42, _, _ =	vpop (xrf1)  }
0xea: {  	v7 =	vmax.f32 v7, v40;
	v8 =	vadd.f32 v41, v8;
	v43, _, _ =	vpop (xrf1)  }
0xeb: {  	v7 =	vmax.f32 v7, v43  }
0xec: {  	v44 =	vsel vm0, v8, v0;
	(xrf1) =	vsort.ascd.msk.f32 $0xffff, v7, v7  }
0xed: {  	(xrf1) =	vsort.dscd.msk.f32 $0xffff, v44, v44;
	_ =	sdelay $0x3  }
0xee: {  	v45 =	vld [tilespmem:s19+$0x8E70]  }
0xef: {  	v46 =	vld [tilespmem:s19+$0x8E71]  }
0xf0: {  	v47 =	vld [tilespmem:s19+$0x8E72]  }
0xf1: {  	v48 =	vld [tilespmem:s19+$0x8E73];
	_ =	sdelay $0x1  }
0xf2: {  	v49 =	vld [tilespmem:s20+$0xA00];
	_ =	sdelay $0x2  }
0xf3: {  	v50 =	vadd.f32 v48, v47;
	v7 =	vadd.f32 v46, v45  }
0xf4: {  	v51, _, _ =	vpop (xrf1)  }
0xf5: {  	v6 =	vmax.f32 v6, v49;
	v7 =	vadd.f32 v50, v7;
	v52, _, _ =	vpop (xrf1)  }
0xf6: {  	v6 =	vmax.f32 v6, v52  }
0xf7: {  	v53 =	vsel vm0, v7, v0;
	(xrf1) =	vsort.ascd.msk.f32 $0xffff, v6, v6  }
0xf8: {  	(xrf1) =	vsort.dscd.msk.f32 $0xffff, v53, v53;
	_ =	sdelay $0x3  }
0xf9: {  	v54 =	vld [tilespmem:s19+$0x9070]  }
0xfa: {  	v55 =	vld [tilespmem:s19+$0x9071]  }
0xfb: {  	v56 =	vld [tilespmem:s19+$0x9072]  }
0xfc: {  	v57 =	vld [tilespmem:s19+$0x9073];
	_ =	sdelay $0x1  }
0xfd: {  	v58 =	vld [tilespmem:s20+$0xC00];
	_ =	sdelay $0x2  }
0xfe: {  	v59 =	vadd.f32 v57, v56;
	v6 =	vadd.f32 v55, v54  }
0xff: {  	v4 =	vmax.f32 v4, v5;
	v60, _, _ =	vpop (xrf1)  }
0x100: {  	v4 =	vmax.f32 v4, v58;
	v6 =	vadd.f32 v59, v6;
	v61, _, _ =	vpop (xrf1)  }
0x101: {  	v4 =	vmax.f32 v4, v61  }
0x102: {  	v62 =	vsel vm0, v6, v0;
	(xrf1) =	vsort.ascd.msk.f32 $0xffff, v4, v4  }
0x103: {  	(xrf1) =	vsort.dscd.msk.f32 $0xffff, v62, v62;
	_ =	sdelay $0xc  }
0x104: {  	v63, _, _ =	vpop (xrf1)  }
0x105: {  	v2 =	vmax.f32 v2, v3;
	v3, _, _ =	vpop (xrf1)  }
0x106: {  	v2 =	vmax.f32 v2, v3  }
0x107: {  	(xrf1) =	vsort.ascd.msk.f32 $0xffff, v2, v2;
	v2 =	vsel vm1, $0x0, v15  }
0x108: {  	v1 =	vadd.f32 v2, v1  }
0x109: {  	v2 =	vsel vm1, $0x0, v24  }
0x10a: {  	v1 =	vadd.f32 v2, v1  }
0x10b: {  	v2 =	vsel vm1, $0x0, v33  }
0x10c: {  	v1 =	vadd.f32 v2, v1  }
0x10d: {  	v2 =	vsel vm1, $0x0, v42  }
0x10e: {  	v1 =	vadd.f32 v2, v1  }
0x10f: {  	v2 =	vsel vm1, $0x0, v51  }
0x110: {  	v1 =	vadd.f32 v2, v1  }
0x111: {  	s18 =	sadd.s32 $0x1, s18;
	v2 =	vsel vm1, $0x0, v60  }
0x112: {  	p1 =	sne.s32 s18, $0x8;
	v1 =	vadd.f32 v2, v1;
	v2 =	vsel vm1, $0x0, v63  }
.Ltmp3:
0x113: {  	_ = 	snop;
	(pc) =	sbr.rel @p1 .LBB2_7-.Ltmp3, $4  }
0x114: {  	_ = 	snop  }
0x115: {  	v1 =	vadd.f32 v2, v1;
	v2, _, _ =	vpop (xrf1)  }
0x116: {  	v2 =	vsel vm1, $0x0, v2  }
0x117: {  	v1 =	vadd.f32 v2, v1  }
0x118: {  	_ = 	snop  }
0x119: {  	(xrf2) =	vadd.scan.msk.f32 $0xffff, v1;
	_ =	sdelay $0x5  }
0x11a: {  	s18 =	simm.s32 @!p0 $0x8080;
	v1 =	vmov s15;
	s15 =	sadd.s32 @!p0 s17, s5;
	s17 =	simm.s32 @!p0 $0x0  }
0x11b: {  	[tilespmem:s18], [sflag:$0x2] =	stream.linear.gather @!p0 [hbm4b:s15+s17], $0x8000, $0x38;
	[tilespmem:$0x10200] =	vst v63  }
0x11c: {  	p0 =	sne.s32 s16, $0x20  }
.Ltmp4:
0x11d: {  	_ = 	snop;
	(pc) =	sbr.rel @p0 .LBB2_2-.Ltmp4, $3  }
0x11e: {  	v2, _, _ =	vpop (xrf2)  }
0x11f: {  	v2 =	vmul.f32 $1.627604220e-04, v2;
	_ =	sdelay $0x1  }
0x120: {  	s15 =	smov.u32 s16;
	[tilespmem:v1+s13+$0x0] =	vst.idx.msk vm2, v2  }
0x121: {  	s14 =	sadd.s32 $0x1, s14  }
0x122: {  	p0 =	sne.s32 s14, s7  }
.Ltmp5:
0x123: {  	_ = 	snop;
	(pc) =	sbr.rel @p0 .LBB2_1-.Ltmp5, $4  }
0x124: {  	[hbm4b:s6+s3] =	stream.linear.scatter [tilespmem:s13], [sflag:$0x3], $0x20, $0x38;
	[tilespmem:$0x10200] =	vst v63  }
0x125: {  	_ =	swait.ge [sflag:s9], $0x20  }
0x126: {  	[sflag:s9] =	ssyncset.done $0x0  }
0x127: {  	[sflag:s9] =	ssyncadd.s32 $0xFFFFFFE0  }
0x128: {  	_ =	sfence.sel $0x180000  }
0x129: {  	[bflag:$0x0] =	sbarrier.arrive $0xFFFF  }
0x12a: {  	p0 =	sne.s32 s1, $0x0;
	_ =	strace $0x9000004A  }
0x12b: {  	s0 =	sadd.s32 @!p0 $0x100000, s0;
	[bflag:$0x2] =	sbarrier.arrive $0xFFFF  }
0x12c: {  	[sflag:s0] =	ssyncadd.tile.s32 @!p0 $0x1;
	_ =	shalt  }
.Lfunc_end2:
_tile_overlayer_lowered:
.L_overlay_start_2:
0x12d: {  	(tag) =	ssettag $0x2  }
0x12e: {  	s0 =	rddreg [dreg:$0x0];
	s2 =	stileid.u32  }
0x12f: {  	s1 =	rddreg [dreg:$0x1];
	p0 =	sne.s32 s2, $0x0  }
0x130: {  	s3 =	rddreg [dreg:$0x2];
	[bflag:$0x3] =	sbarrier.arrive $0xFFFF;
	s2 =	simm.s32 @!p0 $0x1C03  }
0x131: {  	[timem:s3], [sflag:s2] =	dma.local @!p0 [hbm:s0], s1  }
0x132: {  	s0 =	simm.s32 @!p0 $0x3  }
0x133: {  	_ =	swait.ge @!p0 [sflag:s0], s1  }
0x134: {  	s1 =	ssub.s32 @!p0 $0x0, s1;
	[sflag:s0] =	ssyncset.done @!p0 $0x0  }
0x135: {  	[sflag:s0] =	ssyncadd.s32 @!p0 s1  }
0x136: {  	[bflag:$0x3] =	sbarrier.arrive $0xFFFF  }
0x137: {  	_ =	shalt  }

// kernel: sparse-core-data-format-call.cloned.1.call-start
scs
called_computation_lowered:
.L_overlay_start_0:
0x0: {  	s2 =	sld [smem:$0x3FD9]  }
0x1: {  	s3 =	sld [smem:$0x3FFE];
	_ =	sdelay $0x1  }
0x2: {  	s1 =	srdreg.scid  }
0x3: {  	s0 =	sand.u32 $0x1, s1  }
0x4: {  	s18 =	sshll.u32 s0, $0xA;
	s2 =	sadd.s32 s3, s2  }
0x5: {  	s2 =	sadd.s32 s2, s18  }
0x6: {  	[smem:$0x3FC7] =	sst s2  }
0x7: {  	_ = 	snop  }
0x8: {  	s2 =	sld [smem:$0x3FC9];
	(tm) =	ssettm $0x1  }
0x9: {  	s19 =	sld [smem:$0x3FFB];
	_ =	sdelay $0x3  }
0xa: {  	_ =	strace s19  }
0xb: {  	s3 =	sld [smem:$0x3FFC];
	_ =	sdelay $0x3  }
0xc: {  	_ =	strace s3  }
0xd: {  	s3 =	sld [smem:$0x3FFD];
	_ =	sdelay $0x3  }
0xe: {  	_ =	strace s3  }
0xf: {  	_ =	strace $0x8FFFFFFF  }
0x10: {  	s20 =	sld [smem:$0x3FDB];
	_ =	sdelay $0x1  }
0x11: {  	s4 =	simm.s32 $_scs_section_size  }
0x12: {  	s5 =	simm.s32 $_size__tile_overlayer_lowered;
	s6 =	simm.s32 $_tile_overlayer_lowered  }
0x13: {  	s23 =	simm.s32 $0x1BFF;
	s22 =	sshll.u32 s6, $0x1;
	s3 =	sadd.s32 s4, s20  }
0x14: {  	s7 =	simm.s32 $0x0;
	s21 =	sshll.u32 s5, $0x1;
	s5 =	sadd.s32 s22, s3  }
0x15: {  	[timem:s7], [sflag:s23] =	dma.local [hbm:s5], s21  }
0x16: {  	_ =	swait.ge [sflag:s23], s21  }
0x17: {  	s4 =	ssub.s32 $0x0, s21;
	[sflag:s23] =	ssyncset.done $0x0  }
0x18: {  	[sflag:s23] =	ssyncadd.s32 s4;
	_ =	sdelay $0x1  }
0x19: {  	s24 =	simm.s32 $0x1B8B  }
0x1a: {  	_ =	swait.ge [sflag:s24], $0x1  }
0x1b: {  	[sflag:s24] =	ssyncset.done $0x0  }
0x1c: {  	s26 =	simm.s32 $0x1B8E;
	s25 =	sld [smem:$0x3FFE];
	[sflag:s24] =	ssyncadd.s32 $0xFFFFFFFF  }
0x1d: {  	s27 =	simm.s32 $execute0_lowered;
	[smem:$0x3FD2] =	sst s26  }
0x1e: {  	s5 =	sshll.u32 s27, $0x1;
	_ =	strace $0x80000046;
	[dreg:$0x1] =	wrdreg $0xFFFFFFFF  }
0x1f: {  	s28 =	simm.s32 $_size_execute0_lowered;
	s3 =	sadd.s32 s3, s5;
	[dreg:$0x0] =	wrdreg $0x0  }
0x20: {  	s5 =	sshll.u32 s28, $0x1;
	[dreg:$0x2] =	wrdreg s3  }
0x21: {  	[dreg:$0x3] =	wrdreg s5  }
0x22: {  	[dreg:$0x4] =	wrdreg $0xC0  }
0x23: {  	_ =	task [dreg:s7], $0x5FFFF  }
0x24: {  	[dreg:$0x1] =	wrdreg $0xFFFFFFFF  }
0x25: {  	[dreg:$0x0] =	wrdreg $0x60  }
0x26: {  	[dreg:$0x2] =	wrdreg s2  }
0x27: {  	[dreg:$0x3] =	wrdreg s25  }
0x28: {  	[dreg:$0x4] =	wrdreg $0x9  }
0x29: {  	_ =	task.clear_ibuf [dreg:s7], $0x5FFFF;
	_ =	strace $0x90000046  }
0x2a: {  	s29 =	simm.s32 $0x9;
	_ =	strace $0x80000048  }
0x2b: {  	_ =	swait.ge [sflag:s29], $0x1  }
0x2c: {  	[sflag:s29] =	ssyncadd.s32 $0xFFFFFFFF  }
0x2d: {  	_ =	strace $0x90000048  }
0x2e: {  	_ =	sfence  }
0x2f: {  	s30 =	sld [smem:$0x0];
	_ =	sdelay $0x2  }
0x30: {  	s31 =	sshll.u32 s1, $0xD;
	s1 =	sshrl.u32 s1, $0x2  }
0x31: {  	s3 =	sand.u32 $0x4000, s31;
	s1 =	sadd.s32 s1, s30  }
0x32: {  	s0 =	sor.u32 s3, s0;
	s1 =	sshll.u32 s1, $0x11  }
0x33: {  	s0 =	sor.u32 s1, s0  }
0x34: {  	s0 =	sadd.s32 $0x8F2B, s0  }
0x35: {  	[sflag:s0] =	ssyncadd.remote.s32 $0x1  }
0x36: {  	_ =	sfence.sel $0xFFFF  }
0x37: {  	[dreg:$0x0] =	wrdreg $0xFFFFFFFF;
	(pc) =	sbr.abs _section_cstart, $3  }
0x38: {  	[dreg:$0x1] =	wrdreg $0xFFFFFFFF  }
0x39: {  	_ =	task.clear_ibuf [dreg:s7], $0x2FFFF;
	_ =	strace $0x9FFFFFFF  }
0x3a: {  	(tm) =	ssettm $0x7FFFFFFF  }
0x3b: {  	_ =	shalt  }
tec
execute0_lowered:
.L_overlay_start_1:
0x0: {  	(tag) =	ssettag $0x1  }
0x1: {  	s0 =	srdreg.scid  }
0x2: {  	s1 =	sshll.u32 s0, $0x4  }
0x3: {  	s2 =	rddreg [dreg:$0x0];
	s0 =	stileid.u32;
	s1 =	sand.u32 $0x10, s1  }
0x4: {  	s4 =	rddreg [dreg:$0x1];
	s7 =	simm.s32 $0x1;
	s1 =	sor.u32 s0, s1  }
0x5: {  	s8 =	simm.s32 $0x2;
	s9 =	simm.s32 $0x0;
	s3 =	sshll.u32 s1, $0x2  }
0x6: {  	s12 =	simm.s32 $0x0;
	s11 =	simm.s32 $0x0;
	s6 =	ssub.s32 $0x4000, s3  }
.Ltmp0:
0x7: {  	s4 =	sadd.s32 $0x800, s4;
	s5 =	sand.u32 $0x7C, s6;
	(pc) =	sbr.rel .LBB1_1-.Ltmp0, $4  }
0x8: {  	s1 =	rddreg [dreg:$0x2];
	_ =	strace $0x80000047;
	p0 =	sne.s32 s5, $0x0  }
0x9: {  	s6 =	sshrl.u32 s6, $0x7;
	s5 =	simm.s32 $0x1;
	s7 =	simm.s32 @!p0 $0x0  }
0xa: {  	s10 =	smov.u32 s3;
	[sflag:s5] =	ssyncpa.u1 $0x0;
	s6 =	sadd.s32 s7, s6  }
0xb: {  	[sflag:s8] =	ssyncpa.u1 $0x0;
	s8 =	simm.s32 $0x0;
	s7 =	sadd.s32 $0x1, s6  }
.LBB1_9:
0xc: {  	s14 =	sadd.s32 $0x80, s10  }
0xd: {  	p1 =	sgt.s32 s14, $0x3FFF  }
0xe: {  	s14 =	smov.u32 @p1 s3;
	p1 =	sne.s32 s11, s7  }
.Ltmp1:
0xf: {  	p0 =	slt.u32 s11, $0x2;
	(pc) =	sbr.rel @!p1 .LBB1_10-.Ltmp1, $4  }
0x10: {  	s13 =	simm.s32 @!p0 $0x2  }
0x11: {  	s15 =	sadd.s32 $0x1, s11;
	_ =	swait.ge @!p0 [sflag:s13], $0x4000  }
0x12: {  	s12 =	smov.u32 s10;
	s9 =	sadd.s32 $0x4000, s9;
	[sflag:s13] =	ssyncset.done @!p0 $0x0  }
0x13: {  	s11 =	smov.u32 s15;
	s10 =	smov.u32 s14;
	[sflag:s13] =	ssyncadd.s32 @!p0 $0xFFFFC000  }
.LBB1_1:
0x14: {  	p0 =	sge.u32 s11, s6  }
0x15: {  	s13 =	sxor.u32 @!p0 $0xFFFFFFFF, s11  }
0x16: {  	s31 =	sadd.s32 $0xFFFFFFFF, s11;
	s14 =	sshll.u32 @!p0 s10, $0x9;
	s13 =	sshll.u32 @!p0 s13, $0xE  }
0x17: {  	s15 =	simm.s32 @!p0 $0x0;
	s14 =	sadd.s32 @!p0 s2, s14;
	s13 =	sand.u32 @!p0 $0x4000, s13  }
0x18: {  	[tilespmem:s13], [sflag:$0x1] =	stream.linear.gather @!p0 [hbm4b:s14+s15], $0x4000, $0x38;
	[tilespmem:$0x10000] =	vst v63  }
0x19: {  	p0 =	sge.u32 s31, s6  }
.Ltmp2:
0x1a: {  	_ = 	snop;
	(pc) =	sbr.rel @p0 .LBB1_9-.Ltmp2, $1  }
0x1b: {  	_ =	sdelay $0x3  }
0x1c: {  	s14 =	sand.u32 $0x4000, s9  }
0x1d: {  	_ =	swait.ge [sflag:s5], $0x4000;
	s15 =	sshll.u32 s11, $0xE;
	s16 =	simm.s32 $0x0  }
0x1e: {  	s13 =	sor.u32 $0x40, s14;
	[sflag:s5] =	ssyncset.done $0x0;
	s15 =	sand.u32 $0x4000, s15  }
0x1f: {  	s14 =	sor.u32 $0x8040, s14;
	[sflag:s5] =	ssyncadd.s32 $0xFFFFC000;
	s15 =	sor.u32 $0x8000, s15  }
.LBB1_3:
0x20: {  	s17 =	smov.u32 s14;
	s18 =	smov.u32 s13;
	s19 =	simm.s32 $0x0  }
.LBB1_4:
0x21: {  	v0 =	vmov s17;
	v2 =	vld [tilespmem:s18+$0x30]  }
0x22: {  	v4 =	vld [tilespmem:s18+$0xFFFFFFD0]  }
0x23: {  	v6 =	vld [tilespmem:s18+$0xFFFFFFE0]  }
0x24: {  	v7 =	vld [tilespmem:s18+$0xFFFFFFF0]  }
0x25: {  	s20 =	simm.s32 $0x0;
	v1 =	vld [tilespmem:s18+$0x0]  }
0x26: {  	v3 =	vld [tilespmem:s18+$0x10];
	[tilespmem:v0+s20+$0x30 ss:$0x1] =	vst.idx.msk $0xffff, v2  }
0x27: {  	v5 =	vld [tilespmem:s18+$0x20];
	[tilespmem:v0+s20+$0xFFFFFFD0 ss:$0x1] =	vst.idx.msk $0xffff, v4  }
0x28: {  	s21 =	sadd.s32 $0x80, s18;
	v2 =	vld [tilespmem:s18+$0xFFFFFFC0];
	[tilespmem:v0+s20+$0xFFFFFFE0 ss:$0x1] =	vst.idx.msk $0xffff, v6  }
0x29: {  	s22 =	simm.s32 $0x800;
	s23 =	simm.s32 $0x1000;
	v4 =	vld [tilespmem:s21+$0x30];
	[tilespmem:v0+s20+$0xFFFFFFF0 ss:$0x1] =	vst.idx.msk $0xffff, v7  }
.LBB1_5:
0x2a: {  	p0 =	sne.s32 s23, $0x3800;
	v6 =	vld [tilespmem:s21+$0xFFFFFFD0];
	[tilespmem:v0+s20+$0x0 ss:$0x1] =	vst.idx.msk $0xffff, v1  }
0x2b: {  	v7 =	vld [tilespmem:s21+$0xFFFFFFE0];
	[tilespmem:v0+s20+$0x10 ss:$0x1] =	vst.idx.msk $0xffff, v3  }
0x2c: {  	v8 =	vld [tilespmem:s21+$0xFFFFFFF0];
	[tilespmem:v0+s20+$0x20 ss:$0x1] =	vst.idx.msk $0xffff, v5  }
.Ltmp3:
0x2d: {  	v1 =	vld [tilespmem:s21+$0x0];
	[tilespmem:v0+s20+$0xFFFFFFC0 ss:$0x1] =	vst.idx.msk $0xffff, v2;
	s20 =	sshra.s32 s22, $0x2;
	s22 =	smov.u32 s23;
	(pc) =	sbr.rel @p0 .LBB1_5-.Ltmp3, $4  }
0x2e: {  	v3 =	vld [tilespmem:s21+$0x10];
	[tilespmem:v0+s20+$0x30 ss:$0x1] =	vst.idx.msk $0xffff, v4  }
0x2f: {  	[tilespmem:v0+s20+$0xFFFFFFD0 ss:$0x1] =	vst.idx.msk $0xffff, v6;
	v5 =	vld [tilespmem:s21+$0x20]  }
0x30: {  	v2 =	vld [tilespmem:s21+$0xFFFFFFC0];
	[tilespmem:v0+s20+$0xFFFFFFE0 ss:$0x1] =	vst.idx.msk $0xffff, v7;
	s21 =	sadd.s32 $0x80, s21  }
0x31: {  	s23 =	sadd.s32 $0x800, s23;
	v4 =	vld [tilespmem:s21+$0x30];
	[tilespmem:v0+s20+$0xFFFFFFF0 ss:$0x1] =	vst.idx.msk $0xffff, v8  }
0x32: {  	_ =	sdelay $0x3  }
0x33: {  	v6 =	vld [tilespmem:s21+$0xFFFFFFD0];
	[tilespmem:v0+s20+$0x0 ss:$0x1] =	vst.idx.msk $0xffff, v1  }
0x34: {  	v58 =	vld [tilespmem:s21+$0xFFFFFFE0];
	[tilespmem:v0+s20+$0x10 ss:$0x1] =	vst.idx.msk $0xffff, v3  }
0x35: {  	v59 =	vld [tilespmem:s21+$0xFFFFFFF0];
	[tilespmem:v0+s20+$0x20 ss:$0x1] =	vst.idx.msk $0xffff, v5  }
0x36: {  	s22 =	sshra.s32 s22, $0x2;
	v60 =	vld [tilespmem:s21+$0x0];
	[tilespmem:v0+s20+$0xFFFFFFC0 ss:$0x1] =	vst.idx.msk $0xffff, v2  }
0x37: {  	v61 =	vld [tilespmem:s21+$0x10];
	[tilespmem:v0+s22+$0x30 ss:$0x1] =	vst.idx.msk $0xffff, v4  }
0x38: {  	v62 =	vld [tilespmem:s21+$0x20];
	s19 =	sadd.s32 $0x1, s19;
	[tilespmem:v0+s22+$0xFFFFFFD0 ss:$0x1] =	vst.idx.msk $0xffff, v6  }
0x39: {  	v63 =	vld [tilespmem:s21+$0xFFFFFFC0];
	p0 =	sne.s32 s19, $0x4;
	[tilespmem:v0+s22+$0xFFFFFFE0 ss:$0x1] =	vst.idx.msk $0xffff, v58  }
.Ltmp4:
0x3a: {  	[tilespmem:v0+s22+$0xFFFFFFF0 ss:$0x1] =	vst.idx.msk $0xffff, v59;
	(pc) =	sbr.rel @p0 .LBB1_4-.Ltmp4, $4  }
0x3b: {  	[tilespmem:v0+s22+$0x0 ss:$0x1] =	vst.idx.msk $0xffff, v60  }
0x3c: {  	[tilespmem:v0+s22+$0x10 ss:$0x1] =	vst.idx.msk $0xffff, v61  }
0x3d: {  	[tilespmem:v0+s22+$0x20 ss:$0x1] =	vst.idx.msk $0xffff, v62  }
0x3e: {  	s18 =	sadd.s32 $0x400, s18;
	s17 =	sadd.s32 $0x80, s17;
	[tilespmem:v0+s22+$0xFFFFFFC0 ss:$0x1] =	vst.idx.msk $0xffff, v63  }
0x3f: {  	s16 =	sadd.s32 $0x1, s16  }
0x40: {  	p0 =	sne.s32 s16, $0x4  }
.Ltmp5:
0x41: {  	_ = 	snop;
	(pc) =	sbr.rel @p0 .LBB1_3-.Ltmp5, $2  }
0x42: {  	_ =	sdelay $0x2  }
0x43: {  	s13 =	sadd.s32 $0x1000, s13;
	s14 =	sadd.s32 $0x1000, s14  }
.Ltmp6:
0x44: {  	(pc) =	sbr.rel .LBB1_9-.Ltmp6, $4  }
0x45: {  	_ = 	snop  }
0x46: {  	s12 =	sshll.u32 s12, $0x9  }
0x47: {  	s12 =	sadd.s32 s4, s12  }
0x48: {  	[hbm4b:s12+s8] =	stream.linear.scatter [tilespmem:s15], [sflag:$0x2], $0x4000, $0x38;
	[tilespmem:$0x10000] =	vst v63  }
.LBB1_10:
0x49: {  	_ =	sfence.sel $0x180000  }
0x4a: {  	s2 =	simm.s32 $0x1;
	[bflag:$0x0] =	sbarrier.arrive $0xFFFF  }
0x4b: {  	s31 =	simm.s32 $0x2;
	[sflag:s2] =	ssyncpa.u1 $0x1  }
0x4c: {  	[sflag:s31] =	ssyncpa.u1 $0x1  }
0x4d: {  	p0 =	sne.s32 s0, $0x0;
	_ =	strace $0x90000047  }
0x4e: {  	s0 =	sadd.s32 @!p0 $0x100000, s1;
	[bflag:$0x2] =	sbarrier.arrive $0xFFFF  }
0x4f: {  	[sflag:s0] =	ssyncadd.tile.s32 @!p0 $0x1;
	_ =	shalt  }
.Lfunc_end1:
_tile_overlayer_lowered:
.L_overlay_start_2:
0x50: {  	(tag) =	ssettag $0x2  }
0x51: {  	s0 =	rddreg [dreg:$0x0];
	s2 =	stileid.u32  }
0x52: {  	s1 =	rddreg [dreg:$0x1];
	p0 =	sne.s32 s2, $0x0  }
0x53: {  	s3 =	rddreg [dreg:$0x2];
	[bflag:$0x3] =	sbarrier.arrive $0xFFFF;
	s2 =	simm.s32 @!p0 $0x1C01  }
0x54: {  	[timem:s3], [sflag:s2] =	dma.local @!p0 [hbm:s0], s1  }
0x55: {  	s0 =	simm.s32 @!p0 $0x1  }
0x56: {  	_ =	swait.ge @!p0 [sflag:s0], s1  }
0x57: {  	s1 =	ssub.s32 @!p0 $0x0, s1;
	[sflag:s0] =	ssyncset.done @!p0 $0x0  }
0x58: {  	[sflag:s0] =	ssyncadd.s32 @!p0 s1  }
0x59: {  	[bflag:$0x3] =	sbarrier.arrive $0xFFFF  }
0x5a: {  	_ =	shalt  }

</sc_bundles>
